<compile_context>
chip_gen: v7x
topology: tpu7x:2x2x1
jax: 0.10.2.dev20260603
libtpu: 0.0.44.dev20260713+nightly
codegen_flags: <defaults>
</compile_context>

<pallas_src>
import functools

import jax
import jax.numpy as jnp
from jax import lax
from jax.experimental import pallas as pl
from jax.experimental.pallas import tpu as pltpu
from jax.experimental.pallas import tpu_sc as plsc

T = 2048
D = 1024
F = 704
E = 8
BLK = 256
NRB = 24
RS = NRB * BLK
XS = RS + T
NB = NRB + 2 * (T // BLK)
OS = NB * BLK
NW = 32
TPW = T // NW


@functools.cache
def _get_mesh():
    return plsc.VectorSubcoreMesh(core_axis_name="c", subcore_axis_name="s")


def _route_body(x_ref, gwT_ref, slot0_ref, slot1_ref, wts_ref, be_ref, xb_ref):
    xf = x_ref[...]
    xb_ref[...] = xf.astype(jnp.bfloat16)
    logits = jnp.dot(xf, gwT_ref[...], preferred_element_type=jnp.float32)
    io8 = lax.broadcasted_iota(jnp.int32, logits.shape, 1)
    m1 = jnp.max(logits, axis=1, keepdims=True)
    a1 = jnp.min(jnp.where(logits == m1, io8, 99), axis=1, keepdims=True)
    lm = jnp.where(io8 == a1, -jnp.inf, logits)
    m2 = jnp.max(lm, axis=1, keepdims=True)
    a2 = jnp.min(jnp.where(lm == m2, io8, 99), axis=1, keepdims=True)
    w1 = 1.0 / (1.0 + jnp.exp(m2 - m1))
    wts_ref[...] = jnp.concatenate([w1, 1.0 - w1], axis=1)

    io16 = lax.broadcasted_iota(jnp.int32, (T, 16), 1)
    oh0 = (io16 == a1).astype(jnp.float32)
    oh1 = (io16 == a2).astype(jnp.float32)

    r_io = lax.broadcasted_iota(jnp.int32, (T, T), 0)
    c_io = lax.broadcasted_iota(jnp.int32, (T, T), 1)
    ltri = (r_io > c_io).astype(jnp.bfloat16)
    pre0 = jnp.dot(ltri, oh0.astype(jnp.bfloat16),
                   preferred_element_type=jnp.float32)
    cs0 = jnp.sum(oh0, axis=0, keepdims=True)
    pre1 = jnp.dot(ltri, oh1.astype(jnp.bfloat16),
                   preferred_element_type=jnp.float32) + cs0
    counts = (cs0 + jnp.sum(oh1, axis=0, keepdims=True)).astype(jnp.int32)

    pc = (counts + (BLK - 1)) & ~(BLK - 1)
    u_r = lax.broadcasted_iota(jnp.int32, (16, 16), 0)
    u_c = lax.broadcasted_iota(jnp.int32, (16, 16), 1)
    utri = (u_r < u_c).astype(jnp.float32)
    P = jnp.dot(pc.astype(jnp.float32), utri,
                preferred_element_type=jnp.float32)

    r0 = jnp.sum(jnp.where(io16 == a1, pre0, 0.0), axis=1, keepdims=True)
    r1 = jnp.sum(jnp.where(io16 == a2, pre1, 0.0), axis=1, keepdims=True)
    base0 = jnp.sum(jnp.where(io16 == a1, P, 0.0), axis=1, keepdims=True)
    base1 = jnp.sum(jnp.where(io16 == a2, P, 0.0), axis=1, keepdims=True)
    slot0_ref[...] = (base0 + r0).astype(jnp.int32)
    slot1_ref[...] = (base1 + r1).astype(jnp.int32)

    bid = lax.broadcasted_iota(jnp.int32, (1, 64), 1)
    acc = jnp.zeros((1, 64), jnp.int32)
    for e in range(E):
        pe = P[:, e:e + 1]
        acc = acc + (bid * BLK >= pe.astype(jnp.int32)).astype(jnp.int32)
    be = jnp.clip(acc - 1, 0, E - 1)
    be = jnp.where(bid >= NRB, E, be)
    be = jnp.where(bid >= NRB + T // BLK, E + 1, be)
    be = jnp.where(bid >= NB, 0, be)
    be_ref[...] = be


def _route(x, gwT):
    return pl.pallas_call(
        _route_body,
        grid=(1,),
        in_specs=[
            pl.BlockSpec((T, D), lambda i: (0, 0)),
            pl.BlockSpec((D, E), lambda i: (0, 0)),
        ],
        out_specs=[
            pl.BlockSpec((T, 1), lambda i: (0, 0)),
            pl.BlockSpec((T, 1), lambda i: (0, 0)),
            pl.BlockSpec((T, 2), lambda i: (0, 0)),
            pl.BlockSpec((1, 64), lambda i: (0, 0)),
            pl.BlockSpec((T, D), lambda i: (0, 0)),
        ],
        out_shape=[
            jax.ShapeDtypeStruct((T, 1), jnp.int32),
            jax.ShapeDtypeStruct((T, 1), jnp.int32),
            jax.ShapeDtypeStruct((T, 2), jnp.float32),
            jax.ShapeDtypeStruct((1, 64), jnp.int32),
            jax.ShapeDtypeStruct((T, D), jnp.bfloat16),
        ],
    )(x, gwT)


def _dispatch_body(x_hbm, s0_hbm, s1_hbm, xs_hbm, idx_v, rows_v, sem):
    wid = lax.axis_index("s") * 2 + lax.axis_index("c")
    base = wid * TPW
    pltpu.sync_copy(x_hbm.at[pl.ds(base, TPW)], rows_v)
    pltpu.sync_copy(s0_hbm.at[pl.ds(base, TPW)], idx_v)
    pltpu.async_copy(rows_v, xs_hbm.at[idx_v], sem).wait()
    pltpu.sync_copy(s1_hbm.at[pl.ds(base, TPW)], idx_v)
    pltpu.async_copy(rows_v, xs_hbm.at[idx_v], sem).wait()
    pltpu.sync_copy(rows_v, xs_hbm.at[pl.ds(RS + base, TPW)])


def _dispatch(xi, s0, s1):
    f = pl.kernel(
        _dispatch_body,
        mesh=_get_mesh(),
        out_type=[jax.ShapeDtypeStruct((XS, D // 2), jnp.int32)],
        scratch_types=[
            pltpu.VMEM((TPW,), jnp.int32),
            pltpu.VMEM((TPW, D // 2), jnp.int32),
            pltpu.SemaphoreType.DMA,
        ],
    )
    return f(xi, s0, s1)


def _gemm_body(be_ref, xs_ref, wg_ref, wu_ref, wd_ref, os_ref):
    xb = xs_ref[...]
    g = jnp.dot(xb, wg_ref[0], preferred_element_type=jnp.float32)
    u = jnp.dot(xb, wu_ref[0], preferred_element_type=jnp.float32)
    h = (g / (1.0 + jnp.exp(-g))) * u
    os_ref[...] = jnp.dot(h.astype(jnp.bfloat16), wd_ref[0],
                          preferred_element_type=jnp.float32
                          ).astype(jnp.bfloat16)


def _gemm(xs, wg_all, wu_all, wd_all, be):
    grid_spec = pltpu.PrefetchScalarGridSpec(
        num_scalar_prefetch=1,
        grid=(NB,),
        in_specs=[
            pl.BlockSpec((BLK, D),
                         lambda i, be: (jnp.where(i >= NRB + T // BLK,
                                                  i - T // BLK, i), 0)),
            pl.BlockSpec((1, D, F), lambda i, be: (be[i], 0, 0)),
            pl.BlockSpec((1, D, F), lambda i, be: (be[i], 0, 0)),
            pl.BlockSpec((1, F, D), lambda i, be: (be[i], 0, 0)),
        ],
        out_specs=pl.BlockSpec((BLK, D), lambda i, be: (i, 0)),
    )
    return pl.pallas_call(
        _gemm_body,
        grid_spec=grid_spec,
        out_shape=jax.ShapeDtypeStruct((OS, D), jnp.bfloat16),
    )(be, xs, wg_all, wu_all, wd_all)


def _combine_body(os_hbm, s0_hbm, s1_hbm, z_hbm, idx_v, rows_v, sem):
    wid = lax.axis_index("s") * 2 + lax.axis_index("c")
    base = wid * TPW
    pltpu.sync_copy(s0_hbm.at[pl.ds(base, TPW)], idx_v)
    pltpu.async_copy(os_hbm.at[idx_v], rows_v, sem).wait()
    pltpu.sync_copy(rows_v, z_hbm.at[pl.ds(base, TPW)])
    pltpu.sync_copy(s1_hbm.at[pl.ds(base, TPW)], idx_v)
    pltpu.async_copy(os_hbm.at[idx_v], rows_v, sem).wait()
    pltpu.sync_copy(rows_v, z_hbm.at[pl.ds(T + base, TPW)])


def _combine(os_i, s0, s1):
    f = pl.kernel(
        _combine_body,
        mesh=_get_mesh(),
        out_type=[jax.ShapeDtypeStruct((2 * T, D // 2), jnp.int32)],
        scratch_types=[
            pltpu.VMEM((TPW,), jnp.int32),
            pltpu.VMEM((TPW, D // 2), jnp.int32),
            pltpu.SemaphoreType.DMA,
        ],
    )
    return f(os_i, s0, s1)


FBLK = 256


def _final_body(z0_ref, z1_ref, sh0_ref, sh1_ref, wts_ref, y_ref):
    w1 = wts_ref[:, 0:1]
    w2 = wts_ref[:, 1:2]
    y_ref[...] = (w1 * z0_ref[...].astype(jnp.float32)
                  + w2 * z1_ref[...].astype(jnp.float32)
                  + sh0_ref[...].astype(jnp.float32)
                  + sh1_ref[...].astype(jnp.float32))


def _final(z, os_, wts):
    nblk = T // FBLK
    sh_base = RS // FBLK
    return pl.pallas_call(
        _final_body,
        grid=(nblk,),
        in_specs=[
            pl.BlockSpec((FBLK, D), lambda i: (i, 0)),
            pl.BlockSpec((FBLK, D), lambda i: (i + T // FBLK, 0)),
            pl.BlockSpec((FBLK, D), lambda i: (i + sh_base, 0)),
            pl.BlockSpec((FBLK, D), lambda i: (i + sh_base + T // FBLK, 0)),
            pl.BlockSpec((FBLK, 2), lambda i: (i, 0)),
        ],
        out_specs=pl.BlockSpec((FBLK, D), lambda i: (i, 0)),
        out_shape=jax.ShapeDtypeStruct((T, D), jnp.float32),
    )(z, z, os_, os_, wts)


def kernel(hidden_states, gate_weight, w_gate, w_up, w_down, sw_gate, sw_up, sw_down):
    orig_shape = hidden_states.shape
    x = hidden_states.reshape(T, D)
    gwT = gate_weight.T

    slot0, slot1, wts, be64, xb = _route(x, gwT)
    s0 = slot0.reshape(T)
    s1 = slot1.reshape(T)
    be = be64.reshape(64)[:NB]

    xi = lax.bitcast_convert_type(xb.reshape(T, D // 2, 2), jnp.int32)
    (xs_i,) = _dispatch(xi, s0, s1)
    xs = lax.bitcast_convert_type(xs_i, jnp.bfloat16).reshape(XS, D)

    wg_all = jnp.concatenate(
        [w_gate.astype(jnp.bfloat16),
         sw_gate[:, :F].astype(jnp.bfloat16)[None],
         sw_gate[:, F:].astype(jnp.bfloat16)[None]], axis=0)
    wu_all = jnp.concatenate(
        [w_up.astype(jnp.bfloat16),
         sw_up[:, :F].astype(jnp.bfloat16)[None],
         sw_up[:, F:].astype(jnp.bfloat16)[None]], axis=0)
    wd_all = jnp.concatenate(
        [w_down.astype(jnp.bfloat16),
         sw_down[:F].astype(jnp.bfloat16)[None],
         sw_down[F:].astype(jnp.bfloat16)[None]], axis=0)

    os_ = _gemm(xs, wg_all, wu_all, wd_all, be)

    os_i = lax.bitcast_convert_type(os_.reshape(OS, D // 2, 2), jnp.int32)
    (z_i,) = _combine(os_i, s0, s1)
    z = lax.bitcast_convert_type(z_i, jnp.bfloat16).reshape(2 * T, D)

    y = _final(z, os_, wts)
    return y.reshape(orig_shape)

# --- scband reference (transcript-rebuilt; emitter-appended) ---
"""Pipeline reference for scband-deepseek-mo-e-86500641341794 (READ-ONLY COPY).

The authoritative reference and input builder live on the scoring server;
editing this copy changes nothing except your own understanding.
"""

import jax, jax.numpy as jnp
import numpy as np

HIDDEN = 1024
MOE_INTER = 704
NUM_EXPERTS = 8
TOP_K = 2
NUM_SHARED = 2
SHARED_INTER = MOE_INTER * NUM_SHARED
BATCH = 1
SEQ = 2048


def setup_inputs(seed: int = 0) -> dict:
    key = jax.random.key(seed)
    ks = jax.random.split(key, 8)
    hidden_states = jax.random.normal(ks[0], (BATCH, SEQ, HIDDEN), dtype=jnp.float32)
    gate_weight = jax.random.normal(ks[1], (NUM_EXPERTS, HIDDEN), dtype=jnp.float32) * 0.02
    w_gate = jax.random.normal(ks[2], (NUM_EXPERTS, HIDDEN, MOE_INTER), dtype=jnp.float32) * 0.02
    w_up = jax.random.normal(ks[3], (NUM_EXPERTS, HIDDEN, MOE_INTER), dtype=jnp.float32) * 0.02
    w_down = jax.random.normal(ks[4], (NUM_EXPERTS, MOE_INTER, HIDDEN), dtype=jnp.float32) * 0.02
    sw_gate = jax.random.normal(ks[5], (HIDDEN, SHARED_INTER), dtype=jnp.float32) * 0.02
    sw_up = jax.random.normal(ks[6], (HIDDEN, SHARED_INTER), dtype=jnp.float32) * 0.02
    sw_down = jax.random.normal(ks[7], (SHARED_INTER, HIDDEN), dtype=jnp.float32) * 0.02
    return {
        "hidden_states": hidden_states,
        "gate_weight": gate_weight,
        "w_gate": w_gate,
        "w_up": w_up,
        "w_down": w_down,
        "sw_gate": sw_gate,
        "sw_up": sw_up,
        "sw_down": sw_down,
    }


def reference(hidden_states, gate_weight, w_gate, w_up, w_down, sw_gate, sw_up, sw_down):
    orig_shape = hidden_states.shape
    x = hidden_states.reshape(-1, orig_shape[-1])  # [T, d]
    # --- gate: softmax router + top-k selection (DeepseekMoE gate) ---
    logits = x @ gate_weight.T  # [T, E]
    scores = jax.nn.softmax(logits, axis=-1)
    topk_weight, topk_idx = jax.lax.top_k(scores, TOP_K)  # [T, k]
    topk_weight = topk_weight / jnp.sum(topk_weight, axis=-1, keepdims=True)
    # --- routed experts (moe_infer): mathematically equivalent dense-dispatch form ---
    # compute every expert on every token, then gather the top-k expert outputs
    g = jnp.einsum('td,edf->tef', x, w_gate)  # [T, E, f]
    u = jnp.einsum('td,edf->tef', x, w_up)    # [T, E, f]
    h = jax.nn.silu(g) * u
    eo = jnp.einsum('tef,efd->ted', h, w_down)  # [T, E, d]
    sel = jnp.take_along_axis(eo, topk_idx[:, :, None], axis=1)  # [T, k, d]
    y = jnp.sum(sel * topk_weight[:, :, None], axis=1).reshape(orig_shape)
    # --- shared experts (SwiGLU MLP with intermediate = moe_inter * num_shared) ---
    s = jax.nn.silu(x @ sw_gate) * (x @ sw_up)
    shared = (s @ sw_down).reshape(orig_shape)
    return y + shared

if __name__ == "__main__":
    import jax
    _d = setup_inputs()
    print(jax.jit(kernel)(*tuple(_d.values())))

</pallas_src>

<mosaic_0001>
#map = affine_map<(d0, d1) -> (0, 0)>
#map1 = affine_map<(d0, d1) -> (0)>
module attributes {stable_mosaic.version = 14 : i64} {
  func.func @_dispatch_body(%arg0: i32, %arg1: i32, %arg2: memref<2048x512xi32, #tpu.memory_space<hbm>>, %arg3: memref<2048xi32, #tpu.memory_space<hbm>>, %arg4: memref<2048xi32, #tpu.memory_space<hbm>>, %arg5: memref<8192x512xi32, #tpu.memory_space<hbm>>, %arg6: memref<64xi32, #tpu.memory_space<vmem>>, %arg7: memref<64x512xi32, #tpu.memory_space<vmem>>, %arg8: memref<!tpu.dma_semaphore, #tpu.memory_space<semaphore_mem>>) attributes {dimension_semantics = [#tpu.dimension_semantics<core_parallel>, #tpu.dimension_semantics<subcore_parallel>], iteration_bounds = array<i64: 2, 16>, scalar_prefetch = 0 : i64, scratch_operands = 3 : i64, tpu.core_type = #tpu.core_type<sc_vector_subcore>, window_params = [{transform_indices = #map}, {transform_indices = #map1}, {transform_indices = #map1}, {transform_indices = #map}]} {
    %mul3A = arith.constant 2 : i32
    %mul3A_0 = arith.muli %arg1, %mul3A : i32
    %add3A = arith.addi %mul3A_0, %arg0 : i32
    %mul3A_1 = arith.constant 64 : i32
    %mul3A_2 = arith.muli %add3A, %mul3A_1 : i32
    "tpu.region"() ({
      %run_scoped3A = tpu.sem_alloc : memref<!tpu.dma_semaphore, #tpu.memory_space<semaphore_mem>>
      %dma_start3A_15 = arith.constant 0 : i32
      %dma_start3A_16 = tpu.memref_slice %arg2[%mul3A_2, %dma_start3A_15] : memref<2048x512xi32, #tpu.memory_space<hbm>> -> memref<64x512xi32, #tpu.memory_space<hbm>>
      %dma_start3A_17 = arith.constant 0 : i32
      %dma_start3A_18 = tpu.memref_slice %arg2[%mul3A_2, %dma_start3A_17] : memref<2048x512xi32, #tpu.memory_space<hbm>> -> memref<64x512xi32, #tpu.memory_space<hbm>>
      tpu.enqueue_dma source(%dma_start3A_18 : memref<64x512xi32, #tpu.memory_space<hbm>>) target(%arg7 : memref<64x512xi32, #tpu.memory_space<vmem>>) target_semaphore(%run_scoped3A : memref<!tpu.dma_semaphore, #tpu.memory_space<semaphore_mem>>)
      %dma_wait3A_19 = arith.constant 0 : i32
      %dma_wait3A_20 = tpu.memref_slice %arg2[%mul3A_2, %dma_wait3A_19] : memref<2048x512xi32, #tpu.memory_space<hbm>> -> memref<64x512xi32, #tpu.memory_space<hbm>>
      %dma_wait3A_21 = arith.constant 0 : i32
      %dma_wait3A_22 = tpu.memref_slice %arg2[%mul3A_2, %dma_wait3A_21] : memref<2048x512xi32, #tpu.memory_space<hbm>> -> memref<64x512xi32, #tpu.memory_space<hbm>>
      tpu.wait_dma2 semaphore(%run_scoped3A : memref<!tpu.dma_semaphore, #tpu.memory_space<semaphore_mem>>) src(%dma_wait3A_22 : memref<64x512xi32, #tpu.memory_space<hbm>>) dst(%arg7 : memref<64x512xi32, #tpu.memory_space<vmem>>)
      tpu.yield
    }) : () -> ()
    "tpu.region"() ({
      %run_scoped3A = tpu.sem_alloc : memref<!tpu.dma_semaphore, #tpu.memory_space<semaphore_mem>>
      %dma_start3A_15 = tpu.memref_slice %arg3[%mul3A_2] : memref<2048xi32, #tpu.memory_space<hbm>> -> memref<64xi32, #tpu.memory_space<hbm>>
      %dma_start3A_16 = tpu.memref_slice %arg3[%mul3A_2] : memref<2048xi32, #tpu.memory_space<hbm>> -> memref<64xi32, #tpu.memory_space<hbm>>
      tpu.enqueue_dma source(%dma_start3A_16 : memref<64xi32, #tpu.memory_space<hbm>>) target(%arg6 : memref<64xi32, #tpu.memory_space<vmem>>) target_semaphore(%run_scoped3A : memref<!tpu.dma_semaphore, #tpu.memory_space<semaphore_mem>>)
      %dma_wait3A_17 = tpu.memref_slice %arg3[%mul3A_2] : memref<2048xi32, #tpu.memory_space<hbm>> -> memref<64xi32, #tpu.memory_space<hbm>>
      %dma_wait3A_18 = tpu.memref_slice %arg3[%mul3A_2] : memref<2048xi32, #tpu.memory_space<hbm>> -> memref<64xi32, #tpu.memory_space<hbm>>
      tpu.wait_dma2 semaphore(%run_scoped3A : memref<!tpu.dma_semaphore, #tpu.memory_space<semaphore_mem>>) src(%dma_wait3A_18 : memref<64xi32, #tpu.memory_space<hbm>>) dst(%arg6 : memref<64xi32, #tpu.memory_space<vmem>>)
      tpu.yield
    }) : () -> ()
    %dma_start3A = arith.constant 0 : i32
    %dma_start3A_3 = arith.constant 0 : i32
    %dma_start3A_4 = tpu.memref_slice %arg5[%dma_start3A, %dma_start3A_3] : memref<8192x512xi32, #tpu.memory_space<hbm>> -> memref<8192x512xi32, #tpu.memory_space<hbm>>
    tpu.enqueue_indirect_dma source(%arg7 : memref<64x512xi32, #tpu.memory_space<vmem>>) target(%dma_start3A_4 : memref<8192x512xi32, #tpu.memory_space<hbm>>) offsets(%arg6 : memref<64xi32, #tpu.memory_space<vmem>>) semaphore(%arg8 : memref<!tpu.dma_semaphore, #tpu.memory_space<semaphore_mem>>)
    %dma_wait3A = arith.constant 0 : i32
    %dma_wait3A_5 = arith.constant 0 : i32
    %dma_wait3A_6 = tpu.memref_slice %arg5[%dma_wait3A, %dma_wait3A_5] : memref<8192x512xi32, #tpu.memory_space<hbm>> -> memref<8192x512xi32, #tpu.memory_space<hbm>>
    tpu.wait_indirect_dma semaphore(%arg8 : memref<!tpu.dma_semaphore, #tpu.memory_space<semaphore_mem>>) src(%arg7 : memref<64x512xi32, #tpu.memory_space<vmem>>) dst(%dma_wait3A_6 : memref<8192x512xi32, #tpu.memory_space<hbm>>)
    "tpu.region"() ({
      %run_scoped3A = tpu.sem_alloc : memref<!tpu.dma_semaphore, #tpu.memory_space<semaphore_mem>>
      %dma_start3A_15 = tpu.memref_slice %arg4[%mul3A_2] : memref<2048xi32, #tpu.memory_space<hbm>> -> memref<64xi32, #tpu.memory_space<hbm>>
      %dma_start3A_16 = tpu.memref_slice %arg4[%mul3A_2] : memref<2048xi32, #tpu.memory_space<hbm>> -> memref<64xi32, #tpu.memory_space<hbm>>
      tpu.enqueue_dma source(%dma_start3A_16 : memref<64xi32, #tpu.memory_space<hbm>>) target(%arg6 : memref<64xi32, #tpu.memory_space<vmem>>) target_semaphore(%run_scoped3A : memref<!tpu.dma_semaphore, #tpu.memory_space<semaphore_mem>>)
      %dma_wait3A_17 = tpu.memref_slice %arg4[%mul3A_2] : memref<2048xi32, #tpu.memory_space<hbm>> -> memref<64xi32, #tpu.memory_space<hbm>>
      %dma_wait3A_18 = tpu.memref_slice %arg4[%mul3A_2] : memref<2048xi32, #tpu.memory_space<hbm>> -> memref<64xi32, #tpu.memory_space<hbm>>
      tpu.wait_dma2 semaphore(%run_scoped3A : memref<!tpu.dma_semaphore, #tpu.memory_space<semaphore_mem>>) src(%dma_wait3A_18 : memref<64xi32, #tpu.memory_space<hbm>>) dst(%arg6 : memref<64xi32, #tpu.memory_space<vmem>>)
      tpu.yield
    }) : () -> ()
    %dma_start3A_7 = arith.constant 0 : i32
    %dma_start3A_8 = arith.constant 0 : i32
    %dma_start3A_9 = tpu.memref_slice %arg5[%dma_start3A_7, %dma_start3A_8] : memref<8192x512xi32, #tpu.memory_space<hbm>> -> memref<8192x512xi32, #tpu.memory_space<hbm>>
    tpu.enqueue_indirect_dma source(%arg7 : memref<64x512xi32, #tpu.memory_space<vmem>>) target(%dma_start3A_9 : memref<8192x512xi32, #tpu.memory_space<hbm>>) offsets(%arg6 : memref<64xi32, #tpu.memory_space<vmem>>) semaphore(%arg8 : memref<!tpu.dma_semaphore, #tpu.memory_space<semaphore_mem>>)
    %dma_wait3A_10 = arith.constant 0 : i32
    %dma_wait3A_11 = arith.constant 0 : i32
    %dma_wait3A_12 = tpu.memref_slice %arg5[%dma_wait3A_10, %dma_wait3A_11] : memref<8192x512xi32, #tpu.memory_space<hbm>> -> memref<8192x512xi32, #tpu.memory_space<hbm>>
    tpu.wait_indirect_dma semaphore(%arg8 : memref<!tpu.dma_semaphore, #tpu.memory_space<semaphore_mem>>) src(%arg7 : memref<64x512xi32, #tpu.memory_space<vmem>>) dst(%dma_wait3A_12 : memref<8192x512xi32, #tpu.memory_space<hbm>>)
    %add3A_13 = arith.constant 6144 : i32
    %add3A_14 = arith.addi %add3A_13, %mul3A_2 : i32
    "tpu.region"() ({
      %run_scoped3A = tpu.sem_alloc : memref<!tpu.dma_semaphore, #tpu.memory_space<semaphore_mem>>
      %dma_start3A_15 = arith.constant 0 : i32
      %dma_start3A_16 = tpu.memref_slice %arg5[%add3A_14, %dma_start3A_15] : memref<8192x512xi32, #tpu.memory_space<hbm>> -> memref<64x512xi32, #tpu.memory_space<hbm>>
      %dma_start3A_17 = arith.constant 0 : i32
      %dma_start3A_18 = tpu.memref_slice %arg5[%add3A_14, %dma_start3A_17] : memref<8192x512xi32, #tpu.memory_space<hbm>> -> memref<64x512xi32, #tpu.memory_space<hbm>>
      tpu.enqueue_dma source(%arg7 : memref<64x512xi32, #tpu.memory_space<vmem>>) target(%dma_start3A_18 : memref<64x512xi32, #tpu.memory_space<hbm>>) target_semaphore(%run_scoped3A : memref<!tpu.dma_semaphore, #tpu.memory_space<semaphore_mem>>)
      %dma_wait3A_19 = arith.constant 0 : i32
      %dma_wait3A_20 = tpu.memref_slice %arg5[%add3A_14, %dma_wait3A_19] : memref<8192x512xi32, #tpu.memory_space<hbm>> -> memref<64x512xi32, #tpu.memory_space<hbm>>
      %dma_wait3A_21 = arith.constant 0 : i32
      %dma_wait3A_22 = tpu.memref_slice %arg5[%add3A_14, %dma_wait3A_21] : memref<8192x512xi32, #tpu.memory_space<hbm>> -> memref<64x512xi32, #tpu.memory_space<hbm>>
      tpu.wait_dma2 semaphore(%run_scoped3A : memref<!tpu.dma_semaphore, #tpu.memory_space<semaphore_mem>>) src(%arg7 : memref<64x512xi32, #tpu.memory_space<vmem>>) dst(%dma_wait3A_22 : memref<64x512xi32, #tpu.memory_space<hbm>>)
      tpu.yield
    }) : () -> ()
    return
  }
}

#map = affine_map<(d0, d1) -> (0, 0)>
#map1 = affine_map<(d0, d1) -> (0)>
module attributes {stable_mosaic.version = 14 : i64} {
  func.func @_combine_body(%arg0: i32, %arg1: i32, %arg2: memref<10240x512xi32, #tpu.memory_space<hbm>>, %arg3: memref<2048xi32, #tpu.memory_space<hbm>>, %arg4: memref<2048xi32, #tpu.memory_space<hbm>>, %arg5: memref<4096x512xi32, #tpu.memory_space<hbm>>, %arg6: memref<64xi32, #tpu.memory_space<vmem>>, %arg7: memref<64x512xi32, #tpu.memory_space<vmem>>, %arg8: memref<!tpu.dma_semaphore, #tpu.memory_space<semaphore_mem>>) attributes {dimension_semantics = [#tpu.dimension_semantics<core_parallel>, #tpu.dimension_semantics<subcore_parallel>], iteration_bounds = array<i64: 2, 16>, scalar_prefetch = 0 : i64, scratch_operands = 3 : i64, tpu.core_type = #tpu.core_type<sc_vector_subcore>, window_params = [{transform_indices = #map}, {transform_indices = #map1}, {transform_indices = #map1}, {transform_indices = #map}]} {
    %mul3A = arith.constant 2 : i32
    %mul3A_0 = arith.muli %arg1, %mul3A : i32
    %add3A = arith.addi %mul3A_0, %arg0 : i32
    %mul3A_1 = arith.constant 64 : i32
    %mul3A_2 = arith.muli %add3A, %mul3A_1 : i32
    "tpu.region"() ({
      %run_scoped3A = tpu.sem_alloc : memref<!tpu.dma_semaphore, #tpu.memory_space<semaphore_mem>>
      %dma_start3A_15 = tpu.memref_slice %arg3[%mul3A_2] : memref<2048xi32, #tpu.memory_space<hbm>> -> memref<64xi32, #tpu.memory_space<hbm>>
      %dma_start3A_16 = tpu.memref_slice %arg3[%mul3A_2] : memref<2048xi32, #tpu.memory_space<hbm>> -> memref<64xi32, #tpu.memory_space<hbm>>
      tpu.enqueue_dma source(%dma_start3A_16 : memref<64xi32, #tpu.memory_space<hbm>>) target(%arg6 : memref<64xi32, #tpu.memory_space<vmem>>) target_semaphore(%run_scoped3A : memref<!tpu.dma_semaphore, #tpu.memory_space<semaphore_mem>>)
      %dma_wait3A_17 = tpu.memref_slice %arg3[%mul3A_2] : memref<2048xi32, #tpu.memory_space<hbm>> -> memref<64xi32, #tpu.memory_space<hbm>>
      %dma_wait3A_18 = tpu.memref_slice %arg3[%mul3A_2] : memref<2048xi32, #tpu.memory_space<hbm>> -> memref<64xi32, #tpu.memory_space<hbm>>
      tpu.wait_dma2 semaphore(%run_scoped3A : memref<!tpu.dma_semaphore, #tpu.memory_space<semaphore_mem>>) src(%dma_wait3A_18 : memref<64xi32, #tpu.memory_space<hbm>>) dst(%arg6 : memref<64xi32, #tpu.memory_space<vmem>>)
      tpu.yield
    }) : () -> ()
    %dma_start3A = arith.constant 0 : i32
    %dma_start3A_3 = arith.constant 0 : i32
    %dma_start3A_4 = tpu.memref_slice %arg2[%dma_start3A, %dma_start3A_3] : memref<10240x512xi32, #tpu.memory_space<hbm>> -> memref<10240x512xi32, #tpu.memory_space<hbm>>
    tpu.enqueue_indirect_dma source(%dma_start3A_4 : memref<10240x512xi32, #tpu.memory_space<hbm>>) target(%arg7 : memref<64x512xi32, #tpu.memory_space<vmem>>) offsets(%arg6 : memref<64xi32, #tpu.memory_space<vmem>>) semaphore(%arg8 : memref<!tpu.dma_semaphore, #tpu.memory_space<semaphore_mem>>)
    %dma_wait3A = arith.constant 0 : i32
    %dma_wait3A_5 = arith.constant 0 : i32
    %dma_wait3A_6 = tpu.memref_slice %arg2[%dma_wait3A, %dma_wait3A_5] : memref<10240x512xi32, #tpu.memory_space<hbm>> -> memref<10240x512xi32, #tpu.memory_space<hbm>>
    tpu.wait_indirect_dma semaphore(%arg8 : memref<!tpu.dma_semaphore, #tpu.memory_space<semaphore_mem>>) src(%dma_wait3A_6 : memref<10240x512xi32, #tpu.memory_space<hbm>>) dst(%arg7 : memref<64x512xi32, #tpu.memory_space<vmem>>)
    "tpu.region"() ({
      %run_scoped3A = tpu.sem_alloc : memref<!tpu.dma_semaphore, #tpu.memory_space<semaphore_mem>>
      %dma_start3A_15 = arith.constant 0 : i32
      %dma_start3A_16 = tpu.memref_slice %arg5[%mul3A_2, %dma_start3A_15] : memref<4096x512xi32, #tpu.memory_space<hbm>> -> memref<64x512xi32, #tpu.memory_space<hbm>>
      %dma_start3A_17 = arith.constant 0 : i32
      %dma_start3A_18 = tpu.memref_slice %arg5[%mul3A_2, %dma_start3A_17] : memref<4096x512xi32, #tpu.memory_space<hbm>> -> memref<64x512xi32, #tpu.memory_space<hbm>>
      tpu.enqueue_dma source(%arg7 : memref<64x512xi32, #tpu.memory_space<vmem>>) target(%dma_start3A_18 : memref<64x512xi32, #tpu.memory_space<hbm>>) target_semaphore(%run_scoped3A : memref<!tpu.dma_semaphore, #tpu.memory_space<semaphore_mem>>)
      %dma_wait3A_19 = arith.constant 0 : i32
      %dma_wait3A_20 = tpu.memref_slice %arg5[%mul3A_2, %dma_wait3A_19] : memref<4096x512xi32, #tpu.memory_space<hbm>> -> memref<64x512xi32, #tpu.memory_space<hbm>>
      %dma_wait3A_21 = arith.constant 0 : i32
      %dma_wait3A_22 = tpu.memref_slice %arg5[%mul3A_2, %dma_wait3A_21] : memref<4096x512xi32, #tpu.memory_space<hbm>> -> memref<64x512xi32, #tpu.memory_space<hbm>>
      tpu.wait_dma2 semaphore(%run_scoped3A : memref<!tpu.dma_semaphore, #tpu.memory_space<semaphore_mem>>) src(%arg7 : memref<64x512xi32, #tpu.memory_space<vmem>>) dst(%dma_wait3A_22 : memref<64x512xi32, #tpu.memory_space<hbm>>)
      tpu.yield
    }) : () -> ()
    "tpu.region"() ({
      %run_scoped3A = tpu.sem_alloc : memref<!tpu.dma_semaphore, #tpu.memory_space<semaphore_mem>>
      %dma_start3A_15 = tpu.memref_slice %arg4[%mul3A_2] : memref<2048xi32, #tpu.memory_space<hbm>> -> memref<64xi32, #tpu.memory_space<hbm>>
      %dma_start3A_16 = tpu.memref_slice %arg4[%mul3A_2] : memref<2048xi32, #tpu.memory_space<hbm>> -> memref<64xi32, #tpu.memory_space<hbm>>
      tpu.enqueue_dma source(%dma_start3A_16 : memref<64xi32, #tpu.memory_space<hbm>>) target(%arg6 : memref<64xi32, #tpu.memory_space<vmem>>) target_semaphore(%run_scoped3A : memref<!tpu.dma_semaphore, #tpu.memory_space<semaphore_mem>>)
      %dma_wait3A_17 = tpu.memref_slice %arg4[%mul3A_2] : memref<2048xi32, #tpu.memory_space<hbm>> -> memref<64xi32, #tpu.memory_space<hbm>>
      %dma_wait3A_18 = tpu.memref_slice %arg4[%mul3A_2] : memref<2048xi32, #tpu.memory_space<hbm>> -> memref<64xi32, #tpu.memory_space<hbm>>
      tpu.wait_dma2 semaphore(%run_scoped3A : memref<!tpu.dma_semaphore, #tpu.memory_space<semaphore_mem>>) src(%dma_wait3A_18 : memref<64xi32, #tpu.memory_space<hbm>>) dst(%arg6 : memref<64xi32, #tpu.memory_space<vmem>>)
      tpu.yield
    }) : () -> ()
    %dma_start3A_7 = arith.constant 0 : i32
    %dma_start3A_8 = arith.constant 0 : i32
    %dma_start3A_9 = tpu.memref_slice %arg2[%dma_start3A_7, %dma_start3A_8] : memref<10240x512xi32, #tpu.memory_space<hbm>> -> memref<10240x512xi32, #tpu.memory_space<hbm>>
    tpu.enqueue_indirect_dma source(%dma_start3A_9 : memref<10240x512xi32, #tpu.memory_space<hbm>>) target(%arg7 : memref<64x512xi32, #tpu.memory_space<vmem>>) offsets(%arg6 : memref<64xi32, #tpu.memory_space<vmem>>) semaphore(%arg8 : memref<!tpu.dma_semaphore, #tpu.memory_space<semaphore_mem>>)
    %dma_wait3A_10 = arith.constant 0 : i32
    %dma_wait3A_11 = arith.constant 0 : i32
    %dma_wait3A_12 = tpu.memref_slice %arg2[%dma_wait3A_10, %dma_wait3A_11] : memref<10240x512xi32, #tpu.memory_space<hbm>> -> memref<10240x512xi32, #tpu.memory_space<hbm>>
    tpu.wait_indirect_dma semaphore(%arg8 : memref<!tpu.dma_semaphore, #tpu.memory_space<semaphore_mem>>) src(%dma_wait3A_12 : memref<10240x512xi32, #tpu.memory_space<hbm>>) dst(%arg7 : memref<64x512xi32, #tpu.memory_space<vmem>>)
    %add3A_13 = arith.constant 2048 : i32
    %add3A_14 = arith.addi %add3A_13, %mul3A_2 : i32
    "tpu.region"() ({
      %run_scoped3A = tpu.sem_alloc : memref<!tpu.dma_semaphore, #tpu.memory_space<semaphore_mem>>
      %dma_start3A_15 = arith.constant 0 : i32
      %dma_start3A_16 = tpu.memref_slice %arg5[%add3A_14, %dma_start3A_15] : memref<4096x512xi32, #tpu.memory_space<hbm>> -> memref<64x512xi32, #tpu.memory_space<hbm>>
      %dma_start3A_17 = arith.constant 0 : i32
      %dma_start3A_18 = tpu.memref_slice %arg5[%add3A_14, %dma_start3A_17] : memref<4096x512xi32, #tpu.memory_space<hbm>> -> memref<64x512xi32, #tpu.memory_space<hbm>>
      tpu.enqueue_dma source(%arg7 : memref<64x512xi32, #tpu.memory_space<vmem>>) target(%dma_start3A_18 : memref<64x512xi32, #tpu.memory_space<hbm>>) target_semaphore(%run_scoped3A : memref<!tpu.dma_semaphore, #tpu.memory_space<semaphore_mem>>)
      %dma_wait3A_19 = arith.constant 0 : i32
      %dma_wait3A_20 = tpu.memref_slice %arg5[%add3A_14, %dma_wait3A_19] : memref<4096x512xi32, #tpu.memory_space<hbm>> -> memref<64x512xi32, #tpu.memory_space<hbm>>
      %dma_wait3A_21 = arith.constant 0 : i32
      %dma_wait3A_22 = tpu.memref_slice %arg5[%add3A_14, %dma_wait3A_21] : memref<4096x512xi32, #tpu.memory_space<hbm>> -> memref<64x512xi32, #tpu.memory_space<hbm>>
      tpu.wait_dma2 semaphore(%run_scoped3A : memref<!tpu.dma_semaphore, #tpu.memory_space<semaphore_mem>>) src(%arg7 : memref<64x512xi32, #tpu.memory_space<vmem>>) dst(%dma_wait3A_22 : memref<64x512xi32, #tpu.memory_space<hbm>>)
      tpu.yield
    }) : () -> ()
    return
  }
}

module attributes {stable_mosaic.version = 14 : i64} {
  func.func @_route_body(%arg0: i32, %arg1: memref<2048x1024xf32, #tpu.memory_space<vmem>>, %arg2: memref<1024x8xf32, #tpu.memory_space<vmem>>, %arg3: memref<2048x1xi32, #tpu.memory_space<vmem>>, %arg4: memref<2048x1xi32, #tpu.memory_space<vmem>>, %arg5: memref<2048x2xf32, #tpu.memory_space<vmem>>, %arg6: memref<1x64xi32, #tpu.memory_space<vmem>>, %arg7: memref<2048x1024xbf16, #tpu.memory_space<vmem>>) attributes {dimension_semantics = [#tpu.dimension_semantics<arbitrary>], iteration_bounds = array<i64: 1>, scalar_prefetch = 0 : i64, scratch_operands = 0 : i64, tpu.core_type = #tpu.core_type<tc>, window_params = [{pipeline_mode = #tpu.pipeline_mode<synchronous>, transform_indices = @transform_0, window_bounds = array<i64: 2048, 1024>}, {pipeline_mode = #tpu.pipeline_mode<synchronous>, transform_indices = @transform_1, window_bounds = array<i64: 1024, 8>}, {pipeline_mode = #tpu.pipeline_mode<synchronous>, transform_indices = @transform_2, window_bounds = array<i64: 2048, 1>}, {pipeline_mode = #tpu.pipeline_mode<synchronous>, transform_indices = @transform_3, window_bounds = array<i64: 2048, 1>}, {pipeline_mode = #tpu.pipeline_mode<synchronous>, transform_indices = @transform_4, window_bounds = array<i64: 2048, 2>}, {pipeline_mode = #tpu.pipeline_mode<synchronous>, transform_indices = @transform_5, window_bounds = array<i64: 1, 64>}, {pipeline_mode = #tpu.pipeline_mode<synchronous>, transform_indices = @transform_6, window_bounds = array<i64: 2048, 1024>}]} {
    %get3A = arith.constant 0 : index
    %get3A_0 = arith.constant 0 : index
    %get3A_1 = vector.load %arg1[%get3A, %get3A_0] : memref<2048x1024xf32, #tpu.memory_space<vmem>>, vector<2048x1024xf32>
    %convert_element_type3A = arith.truncf %get3A_1 : vector<2048x1024xf32> to vector<2048x1024xbf16>
    %swap3A = arith.constant 0 : index
    %swap3A_2 = arith.constant 0 : index
    %swap3A_3 = vector.load %arg7[%swap3A, %swap3A_2] : memref<2048x1024xbf16, #tpu.memory_space<vmem>>, vector<2048x1024xbf16>
    tpu.vector_store %arg7[%swap3A, %swap3A_2], %convert_element_type3A {strides = array<i32>} : memref<2048x1024xbf16, #tpu.memory_space<vmem>>, vector<2048x1024xbf16>,
    %get3A_4 = arith.constant 0 : index
    %get3A_5 = arith.constant 0 : index
    %get3A_6 = vector.load %arg2[%get3A_4, %get3A_5] : memref<1024x8xf32, #tpu.memory_space<vmem>>, vector<1024x8xf32>
    %dot_general3A = arith.constant dense<0.000000e+00> : vector<2048x8xf32>
    %dot_general3A_7 = tpu.matmul %get3A_1, %get3A_6, %dot_general3A {dimension_numbers = #tpu.dot_dimension_numbers<[1], [0], [0], [1], [0, 0, 1, 1], [], []>, transpose_lhs_hint = false} : vector<2048x1024xf32>, vector<1024x8xf32>, vector<2048x8xf32> -> vector<2048x8xf32>
    %iota3A = tpu.iota {dimensions = array<i32: 1>} : vector<2048x8xi32>
    %reduce_max3A = arith.constant dense<0xFF800000> : vector<2048xf32>
    %reduce_max3A_8 = vector.multi_reduction <maximumf>, %dot_general3A_7, %reduce_max3A [1] : vector<2048x8xf32> to vector<2048xf32>
    %broadcast_in_dim3A = vector.shape_cast %reduce_max3A_8 : vector<2048xf32> to vector<2048x1xf32>
    %eq3A = vector.broadcast %broadcast_in_dim3A : vector<2048x1xf32> to vector<2048x8xf32>
    %eq3A_9 = arith.cmpf oeq, %dot_general3A_7, %eq3A : vector<2048x8xf32>
    %jit3A = arith.constant 99 : i32
    %broadcast_in_dim3A_10 = vector.broadcast %jit3A : i32 to vector<2048x8xi32>
    %select_n3A = arith.select %eq3A_9, %iota3A, %broadcast_in_dim3A_10 : vector<2048x8xi1>, vector<2048x8xi32>
    %reduce_min3A = arith.constant dense<2147483647> : vector<2048xi32>
    %reduce_min3A_11 = vector.multi_reduction <minsi>, %select_n3A, %reduce_min3A [1] : vector<2048x8xi32> to vector<2048xi32>
    %broadcast_in_dim3A_12 = vector.shape_cast %reduce_min3A_11 : vector<2048xi32> to vector<2048x1xi32>
    %eq3A_13 = vector.broadcast %broadcast_in_dim3A_12 : vector<2048x1xi32> to vector<2048x8xi32>
    %eq3A_14 = arith.cmpi eq, %iota3A, %eq3A_13 : vector<2048x8xi32>
    %jit3A_15 = arith.constant 0xFF800000 : f32
    %broadcast_in_dim3A_16 = vector.broadcast %jit3A_15 : f32 to vector<2048x8xf32>
    %select_n3A_17 = arith.select %eq3A_14, %broadcast_in_dim3A_16, %dot_general3A_7 : vector<2048x8xi1>, vector<2048x8xf32>
    %reduce_max3A_18 = arith.constant dense<0xFF800000> : vector<2048xf32>
    %reduce_max3A_19 = vector.multi_reduction <maximumf>, %select_n3A_17, %reduce_max3A_18 [1] : vector<2048x8xf32> to vector<2048xf32>
    %broadcast_in_dim3A_20 = vector.shape_cast %reduce_max3A_19 : vector<2048xf32> to vector<2048x1xf32>
    %eq3A_21 = vector.broadcast %broadcast_in_dim3A_20 : vector<2048x1xf32> to vector<2048x8xf32>
    %eq3A_22 = arith.cmpf oeq, %select_n3A_17, %eq3A_21 : vector<2048x8xf32>
    %jit3A_23 = arith.constant 99 : i32
    %broadcast_in_dim3A_24 = vector.broadcast %jit3A_23 : i32 to vector<2048x8xi32>
    %select_n3A_25 = arith.select %eq3A_22, %iota3A, %broadcast_in_dim3A_24 : vector<2048x8xi1>, vector<2048x8xi32>
    %reduce_min3A_26 = arith.constant dense<2147483647> : vector<2048xi32>
    %reduce_min3A_27 = vector.multi_reduction <minsi>, %select_n3A_25, %reduce_min3A_26 [1] : vector<2048x8xi32> to vector<2048xi32>
    %broadcast_in_dim3A_28 = vector.shape_cast %reduce_min3A_27 : vector<2048xi32> to vector<2048x1xi32>
    %sub3A = arith.subf %broadcast_in_dim3A_20, %broadcast_in_dim3A : vector<2048x1xf32>
    %exp3A = math.exp %sub3A : vector<2048x1xf32>
    %add3A = arith.constant 1.000000e+00 : f32
    %add3A_29 = vector.broadcast %add3A : f32 to vector<2048x1xf32>
    %add3A_30 = arith.addf %add3A_29, %exp3A : vector<2048x1xf32>
    %div3A = arith.constant 1.000000e+00 : f32
    %div3A_31 = vector.broadcast %div3A : f32 to vector<2048x1xf32>
    %div3A_32 = arith.divf %div3A_31, %add3A_30 : vector<2048x1xf32>
    %sub3A_33 = arith.constant 1.000000e+00 : f32
    %sub3A_34 = vector.broadcast %sub3A_33 : f32 to vector<2048x1xf32>
    %sub3A_35 = arith.subf %sub3A_34, %div3A_32 : vector<2048x1xf32>
    %concatenate3A = tpu.concatenate %div3A_32, %sub3A_35 in 1 : vector<2048x1xf32>, vector<2048x1xf32> -> vector<2048x2xf32>
    %swap3A_36 = arith.constant 0 : index
    %swap3A_37 = arith.constant 0 : index
    %swap3A_38 = vector.load %arg5[%swap3A_36, %swap3A_37] : memref<2048x2xf32, #tpu.memory_space<vmem>>, vector<2048x2xf32>
    tpu.vector_store %arg5[%swap3A_36, %swap3A_37], %concatenate3A {strides = array<i32>} : memref<2048x2xf32, #tpu.memory_space<vmem>>, vector<2048x2xf32>,
    %iota3A_39 = tpu.iota {dimensions = array<i32: 1>} : vector<2048x16xi32>
    %eq3A_40 = vector.broadcast %broadcast_in_dim3A_12 : vector<2048x1xi32> to vector<2048x16xi32>
    %eq3A_41 = arith.cmpi eq, %iota3A_39, %eq3A_40 : vector<2048x16xi32>
    %convert_element_type3A_42 = arith.extui %eq3A_41 : vector<2048x16xi1> to vector<2048x16xi32>
    %convert_element_type3A_43 = arith.sitofp %convert_element_type3A_42 : vector<2048x16xi32> to vector<2048x16xf32>
    %eq3A_44 = vector.broadcast %broadcast_in_dim3A_28 : vector<2048x1xi32> to vector<2048x16xi32>
    %eq3A_45 = arith.cmpi eq, %iota3A_39, %eq3A_44 : vector<2048x16xi32>
    %convert_element_type3A_46 = arith.extui %eq3A_45 : vector<2048x16xi1> to vector<2048x16xi32>
    %convert_element_type3A_47 = arith.sitofp %convert_element_type3A_46 : vector<2048x16xi32> to vector<2048x16xf32>
    %iota3A_48 = tpu.iota {dimensions = array<i32: 0>} : vector<2048x2048xi32>
    %iota3A_49 = tpu.iota {dimensions = array<i32: 1>} : vector<2048x2048xi32>
    %gt3A = arith.cmpi sgt, %iota3A_48, %iota3A_49 : vector<2048x2048xi32>
    %convert_element_type3A_50 = arith.extui %gt3A : vector<2048x2048xi1> to vector<2048x2048xi32>
    %convert_element_type3A_51 = arith.sitofp %convert_element_type3A_50 : vector<2048x2048xi32> to vector<2048x2048xf32>
    %convert_element_type3A_52 = arith.truncf %convert_element_type3A_51 : vector<2048x2048xf32> to vector<2048x2048xbf16>
    %convert_element_type3A_53 = arith.truncf %convert_element_type3A_43 : vector<2048x16xf32> to vector<2048x16xbf16>
    %dot_general3A_54 = arith.constant dense<0.000000e+00> : vector<2048x16xf32>
    %dot_general3A_55 = tpu.matmul %convert_element_type3A_52, %convert_element_type3A_53, %dot_general3A_54 {dimension_numbers = #tpu.dot_dimension_numbers<[1], [0], [0], [1], [0, 0, 1, 1], [], []>, transpose_lhs_hint = false} : vector<2048x2048xbf16>, vector<2048x16xbf16>, vector<2048x16xf32> -> vector<2048x16xf32>
    %reduce_sum3A = arith.constant dense<0.000000e+00> : vector<16xf32>
    %reduce_sum3A_56 = vector.multi_reduction <add>, %convert_element_type3A_43, %reduce_sum3A [0] : vector<2048x16xf32> to vector<16xf32>
    %broadcast_in_dim3A_57 = vector.shape_cast %reduce_sum3A_56 : vector<16xf32> to vector<1x16xf32>
    %convert_element_type3A_58 = arith.truncf %convert_element_type3A_47 : vector<2048x16xf32> to vector<2048x16xbf16>
    %dot_general3A_59 = arith.constant dense<0.000000e+00> : vector<2048x16xf32>
    %dot_general3A_60 = tpu.matmul %convert_element_type3A_52, %convert_element_type3A_58, %dot_general3A_59 {dimension_numbers = #tpu.dot_dimension_numbers<[1], [0], [0], [1], [0, 0, 1, 1], [], []>, transpose_lhs_hint = false} : vector<2048x2048xbf16>, vector<2048x16xbf16>, vector<2048x16xf32> -> vector<2048x16xf32>
    %add3A_61 = vector.broadcast %broadcast_in_dim3A_57 : vector<1x16xf32> to vector<2048x16xf32>
    %add3A_62 = arith.addf %dot_general3A_60, %add3A_61 : vector<2048x16xf32>
    %reduce_sum3A_63 = arith.constant dense<0.000000e+00> : vector<16xf32>
    %reduce_sum3A_64 = vector.multi_reduction <add>, %convert_element_type3A_47, %reduce_sum3A_63 [0] : vector<2048x16xf32> to vector<16xf32>
    %broadcast_in_dim3A_65 = vector.shape_cast %reduce_sum3A_64 : vector<16xf32> to vector<1x16xf32>
    %add3A_66 = arith.addf %broadcast_in_dim3A_57, %broadcast_in_dim3A_65 : vector<1x16xf32>
    %convert_element_type3A_67 = arith.fptosi %add3A_66 : vector<1x16xf32> to vector<1x16xi32>
    %add3A_68 = arith.constant 255 : i32
    %add3A_69 = vector.broadcast %add3A_68 : i32 to vector<1x16xi32>
    %add3A_70 = arith.addi %convert_element_type3A_67, %add3A_69 : vector<1x16xi32>
    %and3A = arith.constant -256 : i32
    %and3A_71 = vector.broadcast %and3A : i32 to vector<1x16xi32>
    %and3A_72 = arith.andi %add3A_70, %and3A_71 : vector<1x16xi32>
    %iota3A_73 = tpu.iota {dimensions = array<i32: 0>} : vector<16x16xi32>
    %iota3A_74 = tpu.iota {dimensions = array<i32: 1>} : vector<16x16xi32>
    %lt3A = arith.cmpi slt, %iota3A_73, %iota3A_74 : vector<16x16xi32>
    %convert_element_type3A_75 = arith.extui %lt3A : vector<16x16xi1> to vector<16x16xi32>
    %convert_element_type3A_76 = arith.sitofp %convert_element_type3A_75 : vector<16x16xi32> to vector<16x16xf32>
    %convert_element_type3A_77 = arith.sitofp %and3A_72 : vector<1x16xi32> to vector<1x16xf32>
    %dot_general3A_78 = arith.constant dense<0.000000e+00> : vector<1x16xf32>
    %dot_general3A_79 = tpu.matmul %convert_element_type3A_77, %convert_element_type3A_76, %dot_general3A_78 {dimension_numbers = #tpu.dot_dimension_numbers<[1], [0], [0], [1], [0, 0, 1, 1], [], []>, transpose_lhs_hint = false} : vector<1x16xf32>, vector<16x16xf32>, vector<1x16xf32> -> vector<1x16xf32>
    %eq3A_80 = vector.broadcast %broadcast_in_dim3A_12 : vector<2048x1xi32> to vector<2048x16xi32>
    %eq3A_81 = arith.cmpi eq, %iota3A_39, %eq3A_80 : vector<2048x16xi32>
    %jit3A_82 = arith.constant 0.000000e+00 : f32
    %broadcast_in_dim3A_83 = vector.broadcast %jit3A_82 : f32 to vector<2048x16xf32>
    %select_n3A_84 = arith.select %eq3A_81, %dot_general3A_55, %broadcast_in_dim3A_83 : vector<2048x16xi1>, vector<2048x16xf32>
    %reduce_sum3A_85 = arith.constant dense<0.000000e+00> : vector<2048xf32>
    %reduce_sum3A_86 = vector.multi_reduction <add>, %select_n3A_84, %reduce_sum3A_85 [1] : vector<2048x16xf32> to vector<2048xf32>
    %broadcast_in_dim3A_87 = vector.shape_cast %reduce_sum3A_86 : vector<2048xf32> to vector<2048x1xf32>
    %eq3A_88 = vector.broadcast %broadcast_in_dim3A_28 : vector<2048x1xi32> to vector<2048x16xi32>
    %eq3A_89 = arith.cmpi eq, %iota3A_39, %eq3A_88 : vector<2048x16xi32>
    %jit3A_90 = arith.constant 0.000000e+00 : f32
    %broadcast_in_dim3A_91 = vector.broadcast %jit3A_90 : f32 to vector<2048x16xf32>
    %select_n3A_92 = arith.select %eq3A_89, %add3A_62, %broadcast_in_dim3A_91 : vector<2048x16xi1>, vector<2048x16xf32>
    %reduce_sum3A_93 = arith.constant dense<0.000000e+00> : vector<2048xf32>
    %reduce_sum3A_94 = vector.multi_reduction <add>, %select_n3A_92, %reduce_sum3A_93 [1] : vector<2048x16xf32> to vector<2048xf32>
    %broadcast_in_dim3A_95 = vector.shape_cast %reduce_sum3A_94 : vector<2048xf32> to vector<2048x1xf32>
    %eq3A_96 = vector.broadcast %broadcast_in_dim3A_12 : vector<2048x1xi32> to vector<2048x16xi32>
    %eq3A_97 = arith.cmpi eq, %iota3A_39, %eq3A_96 : vector<2048x16xi32>
    %jit3A_98 = arith.constant 0.000000e+00 : f32
    %broadcast_in_dim3A_99 = vector.shape_cast %dot_general3A_79 : vector<1x16xf32> to vector<1x16xf32>
    %broadcast_in_dim3A_100 = vector.broadcast %broadcast_in_dim3A_99 : vector<1x16xf32> to vector<2048x16xf32>
    %broadcast_in_dim3A_101 = vector.broadcast %jit3A_98 : f32 to vector<2048x16xf32>
    %select_n3A_102 = arith.select %eq3A_97, %broadcast_in_dim3A_100, %broadcast_in_dim3A_101 : vector<2048x16xi1>, vector<2048x16xf32>
    %reduce_sum3A_103 = arith.constant dense<0.000000e+00> : vector<2048xf32>
    %reduce_sum3A_104 = vector.multi_reduction <add>, %select_n3A_102, %reduce_sum3A_103 [1] : vector<2048x16xf32> to vector<2048xf32>
    %broadcast_in_dim3A_105 = vector.shape_cast %reduce_sum3A_104 : vector<2048xf32> to vector<2048x1xf32>
    %eq3A_106 = vector.broadcast %broadcast_in_dim3A_28 : vector<2048x1xi32> to vector<2048x16xi32>
    %eq3A_107 = arith.cmpi eq, %iota3A_39, %eq3A_106 : vector<2048x16xi32>
    %jit3A_108 = arith.constant 0.000000e+00 : f32
    %broadcast_in_dim3A_109 = vector.shape_cast %dot_general3A_79 : vector<1x16xf32> to vector<1x16xf32>
    %broadcast_in_dim3A_110 = vector.broadcast %broadcast_in_dim3A_109 : vector<1x16xf32> to vector<2048x16xf32>
    %broadcast_in_dim3A_111 = vector.broadcast %jit3A_108 : f32 to vector<2048x16xf32>
    %select_n3A_112 = arith.select %eq3A_107, %broadcast_in_dim3A_110, %broadcast_in_dim3A_111 : vector<2048x16xi1>, vector<2048x16xf32>
    %reduce_sum3A_113 = arith.constant dense<0.000000e+00> : vector<2048xf32>
    %reduce_sum3A_114 = vector.multi_reduction <add>, %select_n3A_112, %reduce_sum3A_113 [1] : vector<2048x16xf32> to vector<2048xf32>
    %broadcast_in_dim3A_115 = vector.shape_cast %reduce_sum3A_114 : vector<2048xf32> to vector<2048x1xf32>
    %add3A_116 = arith.addf %broadcast_in_dim3A_105, %broadcast_in_dim3A_87 : vector<2048x1xf32>
    %convert_element_type3A_117 = arith.fptosi %add3A_116 : vector<2048x1xf32> to vector<2048x1xi32>
    %swap3A_118 = arith.constant 0 : index
    %swap3A_119 = arith.constant 0 : index
    %swap3A_120 = vector.load %arg3[%swap3A_118, %swap3A_119] : memref<2048x1xi32, #tpu.memory_space<vmem>>, vector<2048x1xi32>
    tpu.vector_store %arg3[%swap3A_118, %swap3A_119], %convert_element_type3A_117 {strides = array<i32>} : memref<2048x1xi32, #tpu.memory_space<vmem>>, vector<2048x1xi32>,
    %add3A_121 = arith.addf %broadcast_in_dim3A_115, %broadcast_in_dim3A_95 : vector<2048x1xf32>
    %convert_element_type3A_122 = arith.fptosi %add3A_121 : vector<2048x1xf32> to vector<2048x1xi32>
    %swap3A_123 = arith.constant 0 : index
    %swap3A_124 = arith.constant 0 : index
    %swap3A_125 = vector.load %arg4[%swap3A_123, %swap3A_124] : memref<2048x1xi32, #tpu.memory_space<vmem>>, vector<2048x1xi32>
    tpu.vector_store %arg4[%swap3A_123, %swap3A_124], %convert_element_type3A_122 {strides = array<i32>} : memref<2048x1xi32, #tpu.memory_space<vmem>>, vector<2048x1xi32>,
    %iota3A_126 = tpu.iota {dimensions = array<i32: 1>} : vector<1x64xi32>
    %broadcast_in_dim3A_127 = arith.constant 0 : i32
    %broadcast_in_dim3A_128 = vector.broadcast %broadcast_in_dim3A_127 : i32 to vector<1x64xi32>
    %slice3A = vector.extract_strided_slice %dot_general3A_79 {offsets = [0, 0], sizes = [1, 1], strides = [1, 1]} : vector<1x16xf32> to vector<1x1xf32>
    %mul3A = arith.constant 256 : i32
    %mul3A_129 = vector.broadcast %mul3A : i32 to vector<1x64xi32>
    %mul3A_130 = arith.muli %iota3A_126, %mul3A_129 : vector<1x64xi32>
    %convert_element_type3A_131 = arith.fptosi %slice3A : vector<1x1xf32> to vector<1x1xi32>
    %ge3A = vector.broadcast %convert_element_type3A_131 : vector<1x1xi32> to vector<1x64xi32>
    %ge3A_132 = arith.cmpi sge, %mul3A_130, %ge3A : vector<1x64xi32>
    %convert_element_type3A_133 = arith.extui %ge3A_132 : vector<1x64xi1> to vector<1x64xi32>
    %add3A_134 = arith.addi %broadcast_in_dim3A_128, %convert_element_type3A_133 : vector<1x64xi32>
    %slice3A_135 = vector.extract_strided_slice %dot_general3A_79 {offsets = [0, 1], sizes = [1, 1], strides = [1, 1]} : vector<1x16xf32> to vector<1x1xf32>
    %mul3A_136 = arith.constant 256 : i32
    %mul3A_137 = vector.broadcast %mul3A_136 : i32 to vector<1x64xi32>
    %mul3A_138 = arith.muli %iota3A_126, %mul3A_137 : vector<1x64xi32>
    %convert_element_type3A_139 = arith.fptosi %slice3A_135 : vector<1x1xf32> to vector<1x1xi32>
    %ge3A_140 = vector.broadcast %convert_element_type3A_139 : vector<1x1xi32> to vector<1x64xi32>
    %ge3A_141 = arith.cmpi sge, %mul3A_138, %ge3A_140 : vector<1x64xi32>
    %convert_element_type3A_142 = arith.extui %ge3A_141 : vector<1x64xi1> to vector<1x64xi32>
    %add3A_143 = arith.addi %add3A_134, %convert_element_type3A_142 : vector<1x64xi32>
    %slice3A_144 = vector.extract_strided_slice %dot_general3A_79 {offsets = [0, 2], sizes = [1, 1], strides = [1, 1]} : vector<1x16xf32> to vector<1x1xf32>
    %mul3A_145 = arith.constant 256 : i32
    %mul3A_146 = vector.broadcast %mul3A_145 : i32 to vector<1x64xi32>
    %mul3A_147 = arith.muli %iota3A_126, %mul3A_146 : vector<1x64xi32>
    %convert_element_type3A_148 = arith.fptosi %slice3A_144 : vector<1x1xf32> to vector<1x1xi32>
    %ge3A_149 = vector.broadcast %convert_element_type3A_148 : vector<1x1xi32> to vector<1x64xi32>
    %ge3A_150 = arith.cmpi sge, %mul3A_147, %ge3A_149 : vector<1x64xi32>
    %convert_element_type3A_151 = arith.extui %ge3A_150 : vector<1x64xi1> to vector<1x64xi32>
    %add3A_152 = arith.addi %add3A_143, %convert_element_type3A_151 : vector<1x64xi32>
    %slice3A_153 = vector.extract_strided_slice %dot_general3A_79 {offsets = [0, 3], sizes = [1, 1], strides = [1, 1]} : vector<1x16xf32> to vector<1x1xf32>
    %mul3A_154 = arith.constant 256 : i32
    %mul3A_155 = vector.broadcast %mul3A_154 : i32 to vector<1x64xi32>
    %mul3A_156 = arith.muli %iota3A_126, %mul3A_155 : vector<1x64xi32>
    %convert_element_type3A_157 = arith.fptosi %slice3A_153 : vector<1x1xf32> to vector<1x1xi32>
    %ge3A_158 = vector.broadcast %convert_element_type3A_157 : vector<1x1xi32> to vector<1x64xi32>
    %ge3A_159 = arith.cmpi sge, %mul3A_156, %ge3A_158 : vector<1x64xi32>
    %convert_element_type3A_160 = arith.extui %ge3A_159 : vector<1x64xi1> to vector<1x64xi32>
    %add3A_161 = arith.addi %add3A_152, %convert_element_type3A_160 : vector<1x64xi32>
    %slice3A_162 = vector.extract_strided_slice %dot_general3A_79 {offsets = [0, 4], sizes = [1, 1], strides = [1, 1]} : vector<1x16xf32> to vector<1x1xf32>
    %mul3A_163 = arith.constant 256 : i32
    %mul3A_164 = vector.broadcast %mul3A_163 : i32 to vector<1x64xi32>
    %mul3A_165 = arith.muli %iota3A_126, %mul3A_164 : vector<1x64xi32>
    %convert_element_type3A_166 = arith.fptosi %slice3A_162 : vector<1x1xf32> to vector<1x1xi32>
    %ge3A_167 = vector.broadcast %convert_element_type3A_166 : vector<1x1xi32> to vector<1x64xi32>
    %ge3A_168 = arith.cmpi sge, %mul3A_165, %ge3A_167 : vector<1x64xi32>
    %convert_element_type3A_169 = arith.extui %ge3A_168 : vector<1x64xi1> to vector<1x64xi32>
    %add3A_170 = arith.addi %add3A_161, %convert_element_type3A_169 : vector<1x64xi32>
    %slice3A_171 = vector.extract_strided_slice %dot_general3A_79 {offsets = [0, 5], sizes = [1, 1], strides = [1, 1]} : vector<1x16xf32> to vector<1x1xf32>
    %mul3A_172 = arith.constant 256 : i32
    %mul3A_173 = vector.broadcast %mul3A_172 : i32 to vector<1x64xi32>
    %mul3A_174 = arith.muli %iota3A_126, %mul3A_173 : vector<1x64xi32>
    %convert_element_type3A_175 = arith.fptosi %slice3A_171 : vector<1x1xf32> to vector<1x1xi32>
    %ge3A_176 = vector.broadcast %convert_element_type3A_175 : vector<1x1xi32> to vector<1x64xi32>
    %ge3A_177 = arith.cmpi sge, %mul3A_174, %ge3A_176 : vector<1x64xi32>
    %convert_element_type3A_178 = arith.extui %ge3A_177 : vector<1x64xi1> to vector<1x64xi32>
    %add3A_179 = arith.addi %add3A_170, %convert_element_type3A_178 : vector<1x64xi32>
    %slice3A_180 = vector.extract_strided_slice %dot_general3A_79 {offsets = [0, 6], sizes = [1, 1], strides = [1, 1]} : vector<1x16xf32> to vector<1x1xf32>
    %mul3A_181 = arith.constant 256 : i32
    %mul3A_182 = vector.broadcast %mul3A_181 : i32 to vector<1x64xi32>
    %mul3A_183 = arith.muli %iota3A_126, %mul3A_182 : vector<1x64xi32>
    %convert_element_type3A_184 = arith.fptosi %slice3A_180 : vector<1x1xf32> to vector<1x1xi32>
    %ge3A_185 = vector.broadcast %convert_element_type3A_184 : vector<1x1xi32> to vector<1x64xi32>
    %ge3A_186 = arith.cmpi sge, %mul3A_183, %ge3A_185 : vector<1x64xi32>
    %convert_element_type3A_187 = arith.extui %ge3A_186 : vector<1x64xi1> to vector<1x64xi32>
    %add3A_188 = arith.addi %add3A_179, %convert_element_type3A_187 : vector<1x64xi32>
    %slice3A_189 = vector.extract_strided_slice %dot_general3A_79 {offsets = [0, 7], sizes = [1, 1], strides = [1, 1]} : vector<1x16xf32> to vector<1x1xf32>
    %mul3A_190 = arith.constant 256 : i32
    %mul3A_191 = vector.broadcast %mul3A_190 : i32 to vector<1x64xi32>
    %mul3A_192 = arith.muli %iota3A_126, %mul3A_191 : vector<1x64xi32>
    %convert_element_type3A_193 = arith.fptosi %slice3A_189 : vector<1x1xf32> to vector<1x1xi32>
    %ge3A_194 = vector.broadcast %convert_element_type3A_193 : vector<1x1xi32> to vector<1x64xi32>
    %ge3A_195 = arith.cmpi sge, %mul3A_192, %ge3A_194 : vector<1x64xi32>
    %convert_element_type3A_196 = arith.extui %ge3A_195 : vector<1x64xi1> to vector<1x64xi32>
    %add3A_197 = arith.addi %add3A_188, %convert_element_type3A_196 : vector<1x64xi32>
    %sub3A_198 = arith.constant 1 : i32
    %sub3A_199 = vector.broadcast %sub3A_198 : i32 to vector<1x64xi32>
    %sub3A_200 = arith.subi %add3A_197, %sub3A_199 : vector<1x64xi32>
    %jit3A_201 = arith.constant 0 : i32
    %jit3A_202 = arith.constant 7 : i32
    %max3A = vector.broadcast %jit3A_201 : i32 to vector<1x64xi32>
    %max3A_203 = arith.maxsi %max3A, %sub3A_200 : vector<1x64xi32>
    %min3A = vector.broadcast %jit3A_202 : i32 to vector<1x64xi32>
    %min3A_204 = arith.minsi %min3A, %max3A_203 : vector<1x64xi32>
    %ge3A_205 = arith.constant 24 : i32
    %ge3A_206 = vector.broadcast %ge3A_205 : i32 to vector<1x64xi32>
    %ge3A_207 = arith.cmpi sge, %iota3A_126, %ge3A_206 : vector<1x64xi32>
    %jit3A_208 = arith.constant 8 : i32
    %broadcast_in_dim3A_209 = vector.broadcast %jit3A_208 : i32 to vector<1x64xi32>
    %select_n3A_210 = arith.select %ge3A_207, %broadcast_in_dim3A_209, %min3A_204 : vector<1x64xi1>, vector<1x64xi32>
    %ge3A_211 = arith.constant 32 : i32
    %ge3A_212 = vector.broadcast %ge3A_211 : i32 to vector<1x64xi32>
    %ge3A_213 = arith.cmpi sge, %iota3A_126, %ge3A_212 : vector<1x64xi32>
    %jit3A_214 = arith.constant 9 : i32
    %broadcast_in_dim3A_215 = vector.broadcast %jit3A_214 : i32 to vector<1x64xi32>
    %select_n3A_216 = arith.select %ge3A_213, %broadcast_in_dim3A_215, %select_n3A_210 : vector<1x64xi1>, vector<1x64xi32>
    %ge3A_217 = arith.constant 40 : i32
    %ge3A_218 = vector.broadcast %ge3A_217 : i32 to vector<1x64xi32>
    %ge3A_219 = arith.cmpi sge, %iota3A_126, %ge3A_218 : vector<1x64xi32>
    %jit3A_220 = arith.constant 0 : i32
    %broadcast_in_dim3A_221 = vector.broadcast %jit3A_220 : i32 to vector<1x64xi32>
    %select_n3A_222 = arith.select %ge3A_219, %broadcast_in_dim3A_221, %select_n3A_216 : vector<1x64xi1>, vector<1x64xi32>
    %swap3A_223 = arith.constant 0 : index
    %swap3A_224 = arith.constant 0 : index
    %swap3A_225 = vector.load %arg6[%swap3A_223, %swap3A_224] : memref<1x64xi32, #tpu.memory_space<vmem>>, vector<1x64xi32>
    tpu.vector_store %arg6[%swap3A_223, %swap3A_224], %select_n3A_222 {strides = array<i32>} : memref<1x64xi32, #tpu.memory_space<vmem>>, vector<1x64xi32>,
    return
  }
  func.func @transform_0(%arg0: i32) -> (i32, i32) {
    %c0_i32 = arith.constant 0 : i32
    %c0_i32_0 = arith.constant 0 : i32
    %c0_i32_1 = arith.constant 0 : i32
    return %c0_i32, %c0_i32_0 : i32, i32
  }
  func.func @transform_1(%arg0: i32) -> (i32, i32) {
    %c0_i32 = arith.constant 0 : i32
    %c0_i32_0 = arith.constant 0 : i32
    %c0_i32_1 = arith.constant 0 : i32
    return %c0_i32, %c0_i32_0 : i32, i32
  }
  func.func @transform_2(%arg0: i32) -> (i32, i32) {
    %c0_i32 = arith.constant 0 : i32
    %c0_i32_0 = arith.constant 0 : i32
    %c0_i32_1 = arith.constant 0 : i32
    return %c0_i32, %c0_i32_0 : i32, i32
  }
  func.func @transform_3(%arg0: i32) -> (i32, i32) {
    %c0_i32 = arith.constant 0 : i32
    %c0_i32_0 = arith.constant 0 : i32
    %c0_i32_1 = arith.constant 0 : i32
    return %c0_i32, %c0_i32_0 : i32, i32
  }
  func.func @transform_4(%arg0: i32) -> (i32, i32) {
    %c0_i32 = arith.constant 0 : i32
    %c0_i32_0 = arith.constant 0 : i32
    %c0_i32_1 = arith.constant 0 : i32
    return %c0_i32, %c0_i32_0 : i32, i32
  }
  func.func @transform_5(%arg0: i32) -> (i32, i32) {
    %c0_i32 = arith.constant 0 : i32
    %c0_i32_0 = arith.constant 0 : i32
    %c0_i32_1 = arith.constant 0 : i32
    return %c0_i32, %c0_i32_0 : i32, i32
  }
  func.func @transform_6(%arg0: i32) -> (i32, i32) {
    %c0_i32 = arith.constant 0 : i32
    %c0_i32_0 = arith.constant 0 : i32
    %c0_i32_1 = arith.constant 0 : i32
    return %c0_i32, %c0_i32_0 : i32, i32
  }
}

module attributes {stable_mosaic.version = 14 : i64} {
  func.func @_gemm_body(%arg0: i32, %arg1: memref<40xi32, #tpu.memory_space<smem>>, %arg2: memref<256x1024xbf16, #tpu.memory_space<vmem>>, %arg3: memref<1x1024x704xbf16, #tpu.memory_space<vmem>>, %arg4: memref<1x1024x704xbf16, #tpu.memory_space<vmem>>, %arg5: memref<1x704x1024xbf16, #tpu.memory_space<vmem>>, %arg6: memref<256x1024xbf16, #tpu.memory_space<vmem>>) attributes {dimension_semantics = [#tpu.dimension_semantics<arbitrary>], iteration_bounds = array<i64: 40>, scalar_prefetch = 1 : i64, scratch_operands = 0 : i64, tpu.core_type = #tpu.core_type<tc>, window_params = [{transform_indices = @transform_0, window_bounds = array<i64: 256, 1024>}, {transform_indices = @transform_1, window_bounds = array<i64: 1, 1024, 704>}, {transform_indices = @transform_2, window_bounds = array<i64: 1, 1024, 704>}, {transform_indices = @transform_3, window_bounds = array<i64: 1, 704, 1024>}, {transform_indices = @transform_4, window_bounds = array<i64: 256, 1024>}]} {
    %get3A = arith.constant 0 : index
    %get3A_0 = arith.constant 0 : index
    %get3A_1 = vector.load %arg2[%get3A, %get3A_0] : memref<256x1024xbf16, #tpu.memory_space<vmem>>, vector<256x1024xbf16>
    %get3A_2 = arith.constant 0 : index
    %get3A_3 = arith.constant 0 : index
    %get3A_4 = arith.constant 0 : index
    %get3A_5 = vector.load %arg3[%get3A_2, %get3A_3, %get3A_4] : memref<1x1024x704xbf16, #tpu.memory_space<vmem>>, vector<1x1024x704xbf16>
    %get3A_6 = vector.shape_cast %get3A_5 : vector<1x1024x704xbf16> to vector<1024x704xbf16>
    %dot_general3A = arith.constant dense<0.000000e+00> : vector<256x704xf32>
    %dot_general3A_7 = tpu.matmul %get3A_1, %get3A_6, %dot_general3A {dimension_numbers = #tpu.dot_dimension_numbers<[1], [0], [0], [1], [0, 0, 1, 1], [], []>, transpose_lhs_hint = false} : vector<256x1024xbf16>, vector<1024x704xbf16>, vector<256x704xf32> -> vector<256x704xf32>
    %get3A_8 = arith.constant 0 : index
    %get3A_9 = arith.constant 0 : index
    %get3A_10 = arith.constant 0 : index
    %get3A_11 = vector.load %arg4[%get3A_8, %get3A_9, %get3A_10] : memref<1x1024x704xbf16, #tpu.memory_space<vmem>>, vector<1x1024x704xbf16>
    %get3A_12 = vector.shape_cast %get3A_11 : vector<1x1024x704xbf16> to vector<1024x704xbf16>
    %dot_general3A_13 = arith.constant dense<0.000000e+00> : vector<256x704xf32>
    %dot_general3A_14 = tpu.matmul %get3A_1, %get3A_12, %dot_general3A_13 {dimension_numbers = #tpu.dot_dimension_numbers<[1], [0], [0], [1], [0, 0, 1, 1], [], []>, transpose_lhs_hint = false} : vector<256x1024xbf16>, vector<1024x704xbf16>, vector<256x704xf32> -> vector<256x704xf32>
    %neg3A = arith.constant 0.000000e+00 : f32
    %neg3A_15 = vector.broadcast %neg3A : f32 to vector<256x704xf32>
    %neg3A_16 = arith.subf %neg3A_15, %dot_general3A_7 : vector<256x704xf32>
    %exp3A = math.exp %neg3A_16 : vector<256x704xf32>
    %add3A = arith.constant 1.000000e+00 : f32
    %add3A_17 = vector.broadcast %add3A : f32 to vector<256x704xf32>
    %add3A_18 = arith.addf %add3A_17, %exp3A : vector<256x704xf32>
    %div3A = arith.divf %dot_general3A_7, %add3A_18 : vector<256x704xf32>
    %mul3A = arith.mulf %div3A, %dot_general3A_14 : vector<256x704xf32>
    %convert_element_type3A = arith.truncf %mul3A : vector<256x704xf32> to vector<256x704xbf16>
    %get3A_19 = arith.constant 0 : index
    %get3A_20 = arith.constant 0 : index
    %get3A_21 = arith.constant 0 : index
    %get3A_22 = vector.load %arg5[%get3A_19, %get3A_20, %get3A_21] : memref<1x704x1024xbf16, #tpu.memory_space<vmem>>, vector<1x704x1024xbf16>
    %get3A_23 = vector.shape_cast %get3A_22 : vector<1x704x1024xbf16> to vector<704x1024xbf16>
    %dot_general3A_24 = arith.constant dense<0.000000e+00> : vector<256x1024xf32>
    %dot_general3A_25 = tpu.matmul %convert_element_type3A, %get3A_23, %dot_general3A_24 {dimension_numbers = #tpu.dot_dimension_numbers<[1], [0], [0], [1], [0, 0, 1, 1], [], []>, transpose_lhs_hint = false} : vector<256x704xbf16>, vector<704x1024xbf16>, vector<256x1024xf32> -> vector<256x1024xf32>
    %convert_element_type3A_26 = arith.truncf %dot_general3A_25 : vector<256x1024xf32> to vector<256x1024xbf16>
    %swap3A = arith.constant 0 : index
    %swap3A_27 = arith.constant 0 : index
    %swap3A_28 = vector.load %arg6[%swap3A, %swap3A_27] : memref<256x1024xbf16, #tpu.memory_space<vmem>>, vector<256x1024xbf16>
    tpu.vector_store %arg6[%swap3A, %swap3A_27], %convert_element_type3A_26 {strides = array<i32>} : memref<256x1024xbf16, #tpu.memory_space<vmem>>, vector<256x1024xbf16>,
    return
  }
  func.func @transform_0(%arg0: i32, %arg1: memref<40xi32, #tpu.memory_space<smem>>) -> (i32, i32) {
    %ge3A = arith.constant 32 : i32
    %ge3A_0 = arith.cmpi sge, %arg0, %ge3A : i32
    %sub3A = arith.constant 8 : i32
    %sub3A_1 = arith.subi %arg0, %sub3A : i32
    %select_n3A = arith.select %ge3A_0, %sub3A_1, %arg0 : i32
    %c0_i32 = arith.constant 0 : i32
    %c0_i32_2 = arith.constant 0 : i32
    return %select_n3A, %c0_i32 : i32, i32
  }
  func.func @transform_1(%arg0: i32, %arg1: memref<40xi32, #tpu.memory_space<smem>>) -> (i32, i32, i32) {
    %get3A = arith.index_cast %arg0 : i32 to index
    %get3A_0 = memref.load %arg1[%get3A] : memref<40xi32, #tpu.memory_space<smem>>
    %c0_i32 = arith.constant 0 : i32
    %c0_i32_1 = arith.constant 0 : i32
    %c0_i32_2 = arith.constant 0 : i32
    return %get3A_0, %c0_i32, %c0_i32_1 : i32, i32, i32
  }
  func.func @transform_2(%arg0: i32, %arg1: memref<40xi32, #tpu.memory_space<smem>>) -> (i32, i32, i32) {
    %get3A = arith.index_cast %arg0 : i32 to index
    %get3A_0 = memref.load %arg1[%get3A] : memref<40xi32, #tpu.memory_space<smem>>
    %c0_i32 = arith.constant 0 : i32
    %c0_i32_1 = arith.constant 0 : i32
    %c0_i32_2 = arith.constant 0 : i32
    return %get3A_0, %c0_i32, %c0_i32_1 : i32, i32, i32
  }
  func.func @transform_3(%arg0: i32, %arg1: memref<40xi32, #tpu.memory_space<smem>>) -> (i32, i32, i32) {
    %get3A = arith.index_cast %arg0 : i32 to index
    %get3A_0 = memref.load %arg1[%get3A] : memref<40xi32, #tpu.memory_space<smem>>
    %c0_i32 = arith.constant 0 : i32
    %c0_i32_1 = arith.constant 0 : i32
    %c0_i32_2 = arith.constant 0 : i32
    return %get3A_0, %c0_i32, %c0_i32_1 : i32, i32, i32
  }
  func.func @transform_4(%arg0: i32, %arg1: memref<40xi32, #tpu.memory_space<smem>>) -> (i32, i32) {
    %c0_i32 = arith.constant 0 : i32
    %c0_i32_0 = arith.constant 0 : i32
    return %arg0, %c0_i32 : i32, i32
  }
}

module attributes {stable_mosaic.version = 14 : i64} {
  func.func @_final_body(%arg0: i32, %arg1: memref<256x1024xbf16, #tpu.memory_space<vmem>>, %arg2: memref<256x1024xbf16, #tpu.memory_space<vmem>>, %arg3: memref<256x1024xbf16, #tpu.memory_space<vmem>>, %arg4: memref<256x1024xbf16, #tpu.memory_space<vmem>>, %arg5: memref<256x2xf32, #tpu.memory_space<vmem>>, %arg6: memref<256x1024xf32, #tpu.memory_space<vmem>>) attributes {dimension_semantics = [#tpu.dimension_semantics<arbitrary>], iteration_bounds = array<i64: 8>, scalar_prefetch = 0 : i64, scratch_operands = 0 : i64, tpu.core_type = #tpu.core_type<tc>, window_params = [{transform_indices = @transform_0, window_bounds = array<i64: 256, 1024>}, {transform_indices = @transform_1, window_bounds = array<i64: 256, 1024>}, {transform_indices = @transform_2, window_bounds = array<i64: 256, 1024>}, {transform_indices = @transform_3, window_bounds = array<i64: 256, 1024>}, {transform_indices = @transform_4, window_bounds = array<i64: 256, 2>}, {transform_indices = @transform_5, window_bounds = array<i64: 256, 1024>}]} {
    %get3A = arith.constant 0 : index
    %get3A_0 = arith.constant 0 : index
    %get3A_1 = vector.load %arg5[%get3A, %get3A_0] : memref<256x2xf32, #tpu.memory_space<vmem>>, vector<256x1xf32>
    %get3A_2 = arith.constant 0 : index
    %get3A_3 = arith.constant 1 : index
    %get3A_4 = vector.load %arg5[%get3A_2, %get3A_3] : memref<256x2xf32, #tpu.memory_space<vmem>>, vector<256x1xf32>
    %get3A_5 = arith.constant 0 : index
    %get3A_6 = arith.constant 0 : index
    %get3A_7 = vector.load %arg1[%get3A_5, %get3A_6] : memref<256x1024xbf16, #tpu.memory_space<vmem>>, vector<256x1024xbf16>
    %convert_element_type3A = arith.extf %get3A_7 : vector<256x1024xbf16> to vector<256x1024xf32>
    %mul3A = vector.broadcast %get3A_1 : vector<256x1xf32> to vector<256x1024xf32>
    %mul3A_8 = arith.mulf %mul3A, %convert_element_type3A : vector<256x1024xf32>
    %get3A_9 = arith.constant 0 : index
    %get3A_10 = arith.constant 0 : index
    %get3A_11 = vector.load %arg2[%get3A_9, %get3A_10] : memref<256x1024xbf16, #tpu.memory_space<vmem>>, vector<256x1024xbf16>
    %convert_element_type3A_12 = arith.extf %get3A_11 : vector<256x1024xbf16> to vector<256x1024xf32>
    %mul3A_13 = vector.broadcast %get3A_4 : vector<256x1xf32> to vector<256x1024xf32>
    %mul3A_14 = arith.mulf %mul3A_13, %convert_element_type3A_12 : vector<256x1024xf32>
    %add3A = arith.addf %mul3A_8, %mul3A_14 : vector<256x1024xf32>
    %get3A_15 = arith.constant 0 : index
    %get3A_16 = arith.constant 0 : index
    %get3A_17 = vector.load %arg3[%get3A_15, %get3A_16] : memref<256x1024xbf16, #tpu.memory_space<vmem>>, vector<256x1024xbf16>
    %convert_element_type3A_18 = arith.extf %get3A_17 : vector<256x1024xbf16> to vector<256x1024xf32>
    %add3A_19 = arith.addf %add3A, %convert_element_type3A_18 : vector<256x1024xf32>
    %get3A_20 = arith.constant 0 : index
    %get3A_21 = arith.constant 0 : index
    %get3A_22 = vector.load %arg4[%get3A_20, %get3A_21] : memref<256x1024xbf16, #tpu.memory_space<vmem>>, vector<256x1024xbf16>
    %convert_element_type3A_23 = arith.extf %get3A_22 : vector<256x1024xbf16> to vector<256x1024xf32>
    %add3A_24 = arith.addf %add3A_19, %convert_element_type3A_23 : vector<256x1024xf32>
    %swap3A = arith.constant 0 : index
    %swap3A_25 = arith.constant 0 : index
    %swap3A_26 = vector.load %arg6[%swap3A, %swap3A_25] : memref<256x1024xf32, #tpu.memory_space<vmem>>, vector<256x1024xf32>
    tpu.vector_store %arg6[%swap3A, %swap3A_25], %add3A_24 {strides = array<i32>} : memref<256x1024xf32, #tpu.memory_space<vmem>>, vector<256x1024xf32>,
    return
  }
  func.func @transform_0(%arg0: i32) -> (i32, i32) {
    %c0_i32 = arith.constant 0 : i32
    %c0_i32_0 = arith.constant 0 : i32
    return %arg0, %c0_i32 : i32, i32
  }
  func.func @transform_1(%arg0: i32) -> (i32, i32) {
    %add3A = arith.constant 8 : i32
    %add3A_0 = arith.addi %arg0, %add3A : i32
    %c0_i32 = arith.constant 0 : i32
    %c0_i32_1 = arith.constant 0 : i32
    return %add3A_0, %c0_i32 : i32, i32
  }
  func.func @transform_2(%arg0: i32) -> (i32, i32) {
    %add3A = arith.constant 24 : i32
    %add3A_0 = arith.addi %arg0, %add3A : i32
    %c0_i32 = arith.constant 0 : i32
    %c0_i32_1 = arith.constant 0 : i32
    return %add3A_0, %c0_i32 : i32, i32
  }
  func.func @transform_3(%arg0: i32) -> (i32, i32) {
    %add3A = arith.constant 24 : i32
    %add3A_0 = arith.addi %arg0, %add3A : i32
    %add3A_1 = arith.constant 8 : i32
    %add3A_2 = arith.addi %add3A_0, %add3A_1 : i32
    %c0_i32 = arith.constant 0 : i32
    %c0_i32_3 = arith.constant 0 : i32
    return %add3A_2, %c0_i32 : i32, i32
  }
  func.func @transform_4(%arg0: i32) -> (i32, i32) {
    %c0_i32 = arith.constant 0 : i32
    %c0_i32_0 = arith.constant 0 : i32
    return %arg0, %c0_i32 : i32, i32
  }
  func.func @transform_5(%arg0: i32) -> (i32, i32) {
    %c0_i32 = arith.constant 0 : i32
    %c0_i32_0 = arith.constant 0 : i32
    return %arg0, %c0_i32 : i32, i32
  }
}

</mosaic_0001>

<sc_bundles>
// kernel: kernel.10.cloned.1.call-start
scs
__scs_entry_jumppad:
0x0: {  	(pc) =	sbr.rel $0x88, $3  }
0x1: {  	(tag) =	ssettag $0x0;
	lr =	simm.s32 $0x1  }
0x2: {  	[smem:$0x3F99] =	sst lr;
	_ =	strace $0xD0000000  }
0x3: {  	_ = 	snop  }
0x4: {  	_ = 	snop  }
0x5: {  	_ = 	snop  }
0x6: {  	_ = 	snop  }
0x7: {  	_ = 	snop  }
__scs_overlays_trampoline_lowered:
0x8: {  	[smem:$0x3FA8] =	sst s0  }
0x9: {  	[smem:$0x3FA9] =	sst s1  }
0xa: {  	[smem:$0x3FAA] =	sst s2  }
0xb: {  	[smem:$0x3FAB] =	sst s3  }
0xc: {  	[smem:$0x3FAC] =	sst s4  }
0xd: {  	[smem:$0x3FAD] =	sst s5  }
0xe: {  	[smem:$0x3FAE] =	sst s6  }
0xf: {  	[smem:$0x3FAF] =	sst s7  }
0x10: {  	[smem:$0x3FB0] =	sst s8  }
0x11: {  	[smem:$0x3FB1] =	sst s9;
	s0 =	simm.s32 @!p0 $0x0  }
0x12: {  	s1 =	sld [smem:$0x3F97];
	s0 =	simm.s32 @p0 $0x1  }
0x13: {  	[smem:$0x3FB2] =	sst s0;
	s0 =	simm.s32 @!p1 $0x0  }
0x14: {  	s2 =	sld [smem:$0x3F96];
	s0 =	simm.s32 @p1 $0x1  }
0x15: {  	[smem:$0x3FB3] =	sst s0;
	s0 =	simm.s32 @!p2 $0x0  }
0x16: {  	s3 =	sld [smem:$0x3FDB];
	s0 =	simm.s32 @p2 $0x1  }
0x17: {  	s4 =	simm.s32 $0x1BF5;
	[smem:$0x3FB5] =	sst s0  }
0x18: {  	s0 =	sld [smem:$0x3F98];
	_ =	swait.ge [sflag:s4], $0x0  }
0x19: {  	s7 =	sld [smem:$0x3F99]  }
0x1a: {  	s8 =	sadd.s32 $0xFFFFE003, lr  }
0x1b: {  	s9 =	sadd.s32 $0xFFFFFEF7, lr;
	s5 =	simm.s32 $0xFFFFFFFF;
	p2 =	slt.u32 s8, $0xFFFFF086  }
0x1c: {  	p1 =	slt.u32 s9, $0xF7A;
	s5 =	simm.s32 @!p2 $0x0  }
0x1d: {  	s5 =	simm.s32 @p1 $0x1;
	p0 =	seq.s32 s7, s2  }
0x1e: {  	s7 =	smul.u32 @!p0 $0xF7A, s2;
	p2 =	seq.s32 @!p0 s5, $0x0  }
0x1f: {  	s9 =	smul.u32 $0xF7A, s1;
	s8 =	simm.s32 @!p0 $0x1BF5;
	p2 =	por !p2, p0  }
0x20: {  	[sflag:s8] =	ssyncset.s32 @!p0 $0xFFFFF086;
	s6 =	sadd.s32 @!p0 s3, s7;
	s7 =	simm.s32 @!p0 $0x108  }
0x21: {  	s3 =	sadd.s32 s3, s9;
	s6 =	sadd.s32 @!p0 $0x88, s6;
	s7 =	simm.s32 @p2 $0x1082  }
0x22: {  	[simem:s7], [sflag:s8] =	dma.local @!p0 [hbm:s6], $0xF7A  }
0x23: {  	s9 =	sor.u32 $0xD0000000, s2;
	s6 =	simm.s32 $0x108;
	_ =	swait.ge @!p0 [sflag:s8], $0x0  }
0x24: {  	s3 =	sadd.s32 $0x88, s3;
	s6 =	simm.s32 @!p1 $0x1082;
	[sflag:s4] =	ssyncset.s32 $0xFFFFF086  }
0x25: {  	[simem:s6], [sflag:s4] =	dma.local [hbm:s3], $0xF7A  }
0x26: {  	[smem:$0x3F99] =	sst s1;
	(tag) =	ssettag s2;
	_ =	strace s9  }
0x27: {  	s1 =	sld [smem:$0x3FA9]  }
0x28: {  	s2 =	sld [smem:$0x3FAA]  }
0x29: {  	s4 =	sld [smem:$0x3FAC]  }
0x2a: {  	p0 =	seq.s32 s5, $0x0;
	s5 =	sld [smem:$0x3FAD]  }
0x2b: {  	s6 =	sld [smem:$0x3FAE]  }
0x2c: {  	s7 =	sld [smem:$0x3FAF]  }
0x2d: {  	s3 =	simm.s32 $0x108;
	s8 =	sld [smem:$0x3FB0]  }
0x2e: {  	s3 =	simm.s32 @!p0 $0x1082;
	s9 =	sld [smem:$0x3FB1]  }
0x2f: {  	lr =	sadd.s32 s0, s3;
	s0 =	sld [smem:$0x3FA8]  }
0x30: {  	s3 =	sld [smem:$0x3FAB]  }
0x31: {  	[smem:$0x3FB4] =	sst s10  }
0x32: {  	s10 =	sld [smem:$0x3FB2];
	_ =	sdelay $0x3  }
0x33: {  	p0 =	seq.s32 s10, $0x1;
	s10 =	sld [smem:$0x3FB4];
	_ =	sdelay $0x3  }
0x34: {  	[smem:$0x3FB4] =	sst s10  }
0x35: {  	s10 =	sld [smem:$0x3FB3];
	_ =	sdelay $0x3  }
0x36: {  	p1 =	seq.s32 s10, $0x1;
	s10 =	sld [smem:$0x3FB4];
	_ =	sdelay $0x3  }
0x37: {  	[smem:$0x3FB4] =	sst s10  }
0x38: {  	s10 =	sld [smem:$0x3FB5]  }
0x39: {  	_ = 	snop;
	(pc) =	sbr.ind lr, $3  }
0x3a: {  	_ = 	snop  }
0x3b: {  	_ = 	snop  }
0x3c: {  	p2 =	seq.s32 s10, $0x1;
	s10 =	sld [smem:$0x3FB4]  }
0x3d: {  	_ =	shalt  }
0x3e: {  	_ =	shalt  }
0x3f: {  	_ =	shalt  }
0x40: {  	_ =	shalt  }
0x41: {  	_ =	shalt  }
0x42: {  	_ =	shalt  }
0x43: {  	_ =	shalt  }
0x44: {  	_ =	shalt  }
0x45: {  	_ =	shalt  }
0x46: {  	_ =	shalt  }
0x47: {  	_ =	shalt  }
0x48: {  	_ =	shalt  }
0x49: {  	_ =	shalt  }
0x4a: {  	_ =	shalt  }
0x4b: {  	_ =	shalt  }
0x4c: {  	_ =	shalt  }
0x4d: {  	_ =	shalt  }
0x4e: {  	_ =	shalt  }
0x4f: {  	_ =	shalt  }
0x50: {  	_ =	shalt  }
0x51: {  	_ =	shalt  }
0x52: {  	_ =	shalt  }
0x53: {  	_ =	shalt  }
0x54: {  	_ =	shalt  }
0x55: {  	_ =	shalt  }
0x56: {  	_ =	shalt  }
0x57: {  	_ =	shalt  }
0x58: {  	_ =	shalt  }
0x59: {  	_ =	shalt  }
0x5a: {  	_ =	shalt  }
0x5b: {  	_ =	shalt  }
0x5c: {  	_ =	shalt  }
0x5d: {  	_ =	shalt  }
0x5e: {  	_ =	shalt  }
0x5f: {  	_ =	shalt  }
0x60: {  	_ =	shalt  }
0x61: {  	_ =	shalt  }
0x62: {  	_ =	shalt  }
0x63: {  	_ =	shalt  }
0x64: {  	_ =	shalt  }
0x65: {  	_ =	shalt  }
0x66: {  	_ =	shalt  }
0x67: {  	_ =	shalt  }
0x68: {  	_ =	shalt  }
0x69: {  	_ =	shalt  }
0x6a: {  	_ =	shalt  }
0x6b: {  	_ =	shalt  }
0x6c: {  	_ =	shalt  }
0x6d: {  	_ =	shalt  }
0x6e: {  	_ =	shalt  }
0x6f: {  	_ =	shalt  }
0x70: {  	_ =	shalt  }
0x71: {  	_ =	shalt  }
0x72: {  	_ =	shalt  }
0x73: {  	_ =	shalt  }
0x74: {  	_ =	shalt  }
0x75: {  	_ =	shalt  }
0x76: {  	_ =	shalt  }
0x77: {  	_ =	shalt  }
0x78: {  	_ =	shalt  }
0x79: {  	_ =	shalt  }
0x7a: {  	_ =	shalt  }
0x7b: {  	_ =	shalt  }
0x7c: {  	_ =	shalt  }
0x7d: {  	_ =	shalt  }
0x7e: {  	_ =	shalt  }
0x7f: {  	_ =	shalt  }
0x80: {  	_ =	shalt  }
0x81: {  	_ =	shalt  }
0x82: {  	_ =	shalt  }
0x83: {  	_ =	shalt  }
0x84: {  	_ =	shalt  }
0x85: {  	_ =	shalt  }
0x86: {  	_ =	shalt  }
0x87: {  	_ =	shalt  }
.Lfunc_end0:
.L_simem_size_0:
called_computation.3_lowered:
.L_overlay_start_0:
0x88: {  	s2 =	sld [smem:$0x3FD9]  }
0x89: {  	s3 =	sld [smem:$0x3FFE];
	_ =	sdelay $0x1  }
0x8a: {  	s1 =	srdreg.scid  }
0x8b: {  	s0 =	sand.u32 $0x1, s1  }
0x8c: {  	s17 =	sshll.u32 s0, $0xA;
	s2 =	sadd.s32 s3, s2  }
0x8d: {  	s2 =	sadd.s32 s2, s17  }
0x8e: {  	[smem:$0x3FC0] =	sst s2  }
0x8f: {  	_ = 	snop  }
0x90: {  	s2 =	sld [smem:$0x3FD0];
	(tm) =	ssettm $0x1  }
0x91: {  	s18 =	sld [smem:$0x3FFB];
	_ =	sdelay $0x3  }
0x92: {  	_ =	strace s18  }
0x93: {  	s3 =	sld [smem:$0x3FFC];
	_ =	sdelay $0x3  }
0x94: {  	_ =	strace s3  }
0x95: {  	s3 =	sld [smem:$0x3FFD];
	_ =	sdelay $0x3  }
0x96: {  	_ =	strace s3  }
0x97: {  	_ =	strace $0x8FFFFFFF  }
0x98: {  	s19 =	sld [smem:$0x3FDB];
	_ =	sdelay $0x1  }
0x99: {  	s4 =	simm.s32 $_scs_section_size  }
0x9a: {  	s5 =	simm.s32 $_size__tile_overlayer_lowered;
	s6 =	simm.s32 $_tile_overlayer_lowered  }
0x9b: {  	s22 =	simm.s32 $0x1BFF;
	s21 =	sshll.u32 s6, $0x1;
	s3 =	sadd.s32 s4, s19  }
0x9c: {  	s7 =	simm.s32 $0x0;
	s20 =	sshll.u32 s5, $0x1;
	s5 =	sadd.s32 s21, s3  }
0x9d: {  	[timem:s7], [sflag:s22] =	dma.local [hbm:s5], s20  }
0x9e: {  	_ =	swait.ge [sflag:s22], s20  }
0x9f: {  	s4 =	ssub.s32 $0x0, s20;
	[sflag:s22] =	ssyncset.done $0x0  }
0xa0: {  	[sflag:s22] =	ssyncadd.s32 s4;
	_ =	sdelay $0x1  }
0xa1: {  	s23 =	simm.s32 $0x1B8B  }
0xa2: {  	_ =	swait.ge [sflag:s23], $0x1  }
0xa3: {  	[sflag:s23] =	ssyncset.done $0x0  }
0xa4: {  	s25 =	simm.s32 $0x1B8E;
	s24 =	sld [smem:$0x3FFE];
	[sflag:s23] =	ssyncadd.s32 $0xFFFFFFFF  }
0xa5: {  	s26 =	simm.s32 $execute0_lowered;
	[smem:$0x3FD2] =	sst s25  }
0xa6: {  	s5 =	sshll.u32 s26, $0x1;
	_ =	strace $0x8000004F;
	[dreg:$0x1] =	wrdreg $0xFFFFFFFF  }
0xa7: {  	s28 =	simm.s32 $_size_execute0_lowered;
	s3 =	sadd.s32 s3, s5;
	[dreg:$0x0] =	wrdreg $0x0  }
0xa8: {  	s5 =	sshll.u32 s28, $0x1;
	[dreg:$0x2] =	wrdreg s3  }
0xa9: {  	[dreg:$0x3] =	wrdreg s5  }
0xaa: {  	[dreg:$0x4] =	wrdreg $0xC0  }
0xab: {  	_ =	task [dreg:s7], $0x5FFFF  }
0xac: {  	[dreg:$0x1] =	wrdreg $0xFFFFFFFF  }
0xad: {  	[dreg:$0x0] =	wrdreg $0x60  }
0xae: {  	[dreg:$0x2] =	wrdreg s24  }
0xaf: {  	[dreg:$0x3] =	wrdreg s2  }
0xb0: {  	[dreg:$0x4] =	wrdreg $0x9  }
0xb1: {  	_ =	task.clear_ibuf [dreg:s7], $0x5FFFF;
	_ =	strace $0x9000004F  }
0xb2: {  	s29 =	simm.s32 $0x9;
	_ =	strace $0x80000051  }
0xb3: {  	_ =	swait.ge [sflag:s29], $0x1  }
0xb4: {  	[sflag:s29] =	ssyncadd.s32 $0xFFFFFFFF  }
0xb5: {  	_ =	strace $0x90000051  }
0xb6: {  	_ =	sfence  }
0xb7: {  	s30 =	sld [smem:$0x0];
	_ =	sdelay $0x2  }
0xb8: {  	s31 =	sshll.u32 s1, $0xD;
	s1 =	sshrl.u32 s1, $0x2  }
0xb9: {  	s3 =	sand.u32 $0x4000, s31;
	s1 =	sadd.s32 s1, s30  }
0xba: {  	s0 =	sor.u32 s3, s0;
	s1 =	sshll.u32 s1, $0x11  }
0xbb: {  	s0 =	sor.u32 s1, s0  }
0xbc: {  	s0 =	sadd.s32 $0x8F2B, s0  }
0xbd: {  	[sflag:s0] =	ssyncadd.remote.s32 $0x1  }
0xbe: {  	_ =	sfence.sel $0xFFFF  }
0xbf: {  	[dreg:$0x0] =	wrdreg $0xFFFFFFFF;
	(pc) =	sbr.abs _section_cstart, $3  }
0xc0: {  	[dreg:$0x1] =	wrdreg $0xFFFFFFFF  }
0xc1: {  	_ =	task.clear_ibuf [dreg:s7], $0x2FFFF;
	_ =	strace $0x9FFFFFFF  }
0xc2: {  	(tm) =	ssettm $0x7FFFFFFF  }
0xc3: {  	_ =	shalt  }
tec
execute0_lowered:
.L_overlay_start_1:
0x0: {  	(tag) =	ssettag $0x1  }
0x1: {  	s5 =	rddreg [dreg:$0x0]  }
0x2: {  	s6 =	rddreg [dreg:$0x1]  }
0x3: {  	s0 =	rddreg [dreg:$0x2];
	s3 =	srdreg.scid  }
0x4: {  	s2 =	simm.s32 $0x0;
	s1 =	stileid.u32;
	s10 =	simm.s32 $0x2  }
0x5: {  	s11 =	simm.s32 $0x80;
	s12 =	simm.s32 $0x880;
	s13 =	simm.s32 $0x1080  }
0x6: {  	s14 =	simm.s32 $0x1880;
	s15 =	simm.s32 $0x2080;
	s16 =	simm.s32 $0x2880  }
0x7: {  	s17 =	simm.s32 $0x3080;
	s18 =	simm.s32 $0x3880;
	s19 =	simm.s32 $0x4080  }
0x8: {  	s20 =	simm.s32 $0x4880;
	s21 =	simm.s32 $0x5080;
	s22 =	simm.s32 $0x5880  }
0x9: {  	s23 =	simm.s32 $0x6080;
	s24 =	simm.s32 $0x6880;
	s25 =	simm.s32 $0x7080  }
0xa: {  	s26 =	simm.s32 $0x7880;
	s28 =	simm.s32 $0x1;
	s3 =	sand.u32 $0x1, s3  }
0xb: {  	[smem:$0x7FF] =	sst s2;
	s4 =	sshll.u32 s1, $0x7;
	s7 =	sshll.u32 s3, $0x6  }
0xc: {  	_ =	strace $0x80000050;
	s30 =	ssub.s32 $0x2, s3;
	s4 =	sor.u32 s7, s4  }
0xd: {  	s3 =	sadd.s32 $0x1AC000, s5;
	s9 =	sshrl.u32 s30, $0x1;
	s8 =	sshrl.u32 s4, $0x3  }
0xe: {  	v2 =	vlaneseq.u32;
	s9 =	ssub.s32 s30, s9;
	s31 =	sshll.u32 s4, $0x6;
	s8 =	sadd.s32 s8, s5  }
0xf: {  	vm0 =	vmmov $0xffff;
	v1 =	vshrl.u32 v2, $0x3;
	s5 =	sadd.s32 $0x1AC100, s5;
	s6 =	sadd.s32 s6, s31;
	s9 =	smax.u32 s9, $0x1  }
0x10: {  	v0 =	vand.u32 $0x7, v2;
	v2 =	vor.u32 $0x8, v2;
	v1 =	vmul.u32 $0x8, v1;
	s4 =	sadd.s32 $0xBA00, s8;
	s7 =	sadd.s32 $0xBC00, s8;
	s8 =	sadd.s32 $0x20000, s6  }
.LBB2_1:
0x11: {  	[tilespmem:s2], [sflag:$0x2] =	stream.linear.gather [hbm4b:s4+s2], $0x40, $0x38;
	[tilespmem:$0x8080] =	vst v63  }
0x12: {  	_ =	swait.ge [sflag:s10], $0x40  }
0x13: {  	[sflag:s10] =	ssyncset.done $0x0  }
0x14: {  	[sflag:s10] =	ssyncadd.s32 $0xFFFFFFC0  }
0x15: {  	v3 =	vld [tilespmem:$0x0];
	_ =	sdelay $0x4  }
0x16: {  	v4 =	vshll.u32 v3, $0x2  }
0x17: {  	v3 =	vand.u32 $0x7, v3;
	v4 =	vand.u32 $0xFFFFFFE0, v4  }
0x18: {  	v3 =	vor.u32 v3, v4  }
0x19: {  	v4 =	vperm.xlane v3, v0;
	_ =	sdelay $0x1  }
0x1a: {  	v4 =	vadd.s32 v1, v4;
	_ =	sdelay $0x1  }
0x1b: {  	v3 =	vperm.xlane v3, v2;
	_ =	sdelay $0x1  }
0x1c: {  	v3 =	vadd.s32 v1, v3  }
0x1d: {  	[tilespmem:s11], [sflag:$0x1] =	stream.indirect_vreg.gather [hbm4b:s3+s2], $0x80, v4, vm0, $0xb8;
	[tilespmem:$0x8080] =	vst v63  }
0x1e: {  	_ = 	snop  }
0x1f: {  	[tilespmem:s12], [sflag:$0x1] =	stream.indirect_vreg.gather [hbm4b:s5+s2], $0x80, v4, vm0, $0xb8;
	[tilespmem:$0x8080] =	vst v63  }
0x20: {  	_ = 	snop  }
0x21: {  	[tilespmem:s13], [sflag:$0x1] =	stream.indirect_vreg.gather [hbm4b:s3+s2], $0x80, v3, vm0, $0xb8;
	[tilespmem:$0x8080] =	vst v63  }
0x22: {  	_ = 	snop  }
0x23: {  	[tilespmem:s14], [sflag:$0x1] =	stream.indirect_vreg.gather [hbm4b:s5+s2], $0x80, v3, vm0, $0xb8;
	[tilespmem:$0x8080] =	vst v63  }
0x24: {  	v3 =	vld [tilespmem:$0x10];
	_ =	sdelay $0x4  }
0x25: {  	v57 =	vshll.u32 v3, $0x2  }
0x26: {  	v3 =	vand.u32 $0x7, v3;
	v4 =	vand.u32 $0xFFFFFFE0, v57  }
0x27: {  	v3 =	vor.u32 v3, v4  }
0x28: {  	v4 =	vperm.xlane v3, v0;
	_ =	sdelay $0x1  }
0x29: {  	v4 =	vadd.s32 v1, v4;
	_ =	sdelay $0x1  }
0x2a: {  	v3 =	vperm.xlane v3, v2;
	_ =	sdelay $0x1  }
0x2b: {  	v3 =	vadd.s32 v1, v3  }
0x2c: {  	[tilespmem:s15], [sflag:$0x1] =	stream.indirect_vreg.gather [hbm4b:s3+s2], $0x80, v4, vm0, $0xb8;
	[tilespmem:$0x8080] =	vst v63  }
0x2d: {  	_ = 	snop  }
0x2e: {  	[tilespmem:s16], [sflag:$0x1] =	stream.indirect_vreg.gather [hbm4b:s5+s2], $0x80, v4, vm0, $0xb8;
	[tilespmem:$0x8080] =	vst v63  }
0x2f: {  	_ = 	snop  }
0x30: {  	[tilespmem:s17], [sflag:$0x1] =	stream.indirect_vreg.gather [hbm4b:s3+s2], $0x80, v3, vm0, $0xb8;
	[tilespmem:$0x8080] =	vst v63  }
0x31: {  	_ = 	snop  }
0x32: {  	[tilespmem:s18], [sflag:$0x1] =	stream.indirect_vreg.gather [hbm4b:s5+s2], $0x80, v3, vm0, $0xb8;
	[tilespmem:$0x8080] =	vst v63  }
0x33: {  	v3 =	vld [tilespmem:$0x20];
	_ =	sdelay $0x4  }
0x34: {  	v58 =	vshll.u32 v3, $0x2  }
0x35: {  	v3 =	vand.u32 $0x7, v3;
	v4 =	vand.u32 $0xFFFFFFE0, v58  }
0x36: {  	v3 =	vor.u32 v3, v4  }
0x37: {  	v4 =	vperm.xlane v3, v0;
	_ =	sdelay $0x1  }
0x38: {  	v4 =	vadd.s32 v1, v4;
	_ =	sdelay $0x1  }
0x39: {  	v3 =	vperm.xlane v3, v2;
	_ =	sdelay $0x1  }
0x3a: {  	v3 =	vadd.s32 v1, v3  }
0x3b: {  	[tilespmem:s19], [sflag:$0x1] =	stream.indirect_vreg.gather [hbm4b:s3+s2], $0x80, v4, vm0, $0xb8;
	[tilespmem:$0x8080] =	vst v63  }
0x3c: {  	_ = 	snop  }
0x3d: {  	[tilespmem:s20], [sflag:$0x1] =	stream.indirect_vreg.gather [hbm4b:s5+s2], $0x80, v4, vm0, $0xb8;
	[tilespmem:$0x8080] =	vst v63  }
0x3e: {  	_ = 	snop  }
0x3f: {  	[tilespmem:s21], [sflag:$0x1] =	stream.indirect_vreg.gather [hbm4b:s3+s2], $0x80, v3, vm0, $0xb8;
	[tilespmem:$0x8080] =	vst v63  }
0x40: {  	_ = 	snop  }
0x41: {  	[tilespmem:s22], [sflag:$0x1] =	stream.indirect_vreg.gather [hbm4b:s5+s2], $0x80, v3, vm0, $0xb8;
	[tilespmem:$0x8080] =	vst v63  }
0x42: {  	v3 =	vld [tilespmem:$0x30];
	_ =	sdelay $0x4  }
0x43: {  	v59 =	vshll.u32 v3, $0x2  }
0x44: {  	v3 =	vand.u32 $0x7, v3;
	v4 =	vand.u32 $0xFFFFFFE0, v59  }
0x45: {  	v3 =	vor.u32 v3, v4  }
0x46: {  	v4 =	vperm.xlane v3, v0;
	_ =	sdelay $0x1  }
0x47: {  	v4 =	vadd.s32 v1, v4;
	_ =	sdelay $0x1  }
0x48: {  	v3 =	vperm.xlane v3, v2;
	_ =	sdelay $0x1  }
0x49: {  	v3 =	vadd.s32 v1, v3  }
0x4a: {  	[tilespmem:s23], [sflag:$0x1] =	stream.indirect_vreg.gather [hbm4b:s3+s2], $0x80, v4, vm0, $0xb8;
	[tilespmem:$0x8080] =	vst v63  }
0x4b: {  	_ = 	snop  }
0x4c: {  	[tilespmem:s24], [sflag:$0x1] =	stream.indirect_vreg.gather [hbm4b:s5+s2], $0x80, v4, vm0, $0xb8;
	[tilespmem:$0x8080] =	vst v63  }
0x4d: {  	_ = 	snop  }
0x4e: {  	[tilespmem:s25], [sflag:$0x1] =	stream.indirect_vreg.gather [hbm4b:s3+s2], $0x80, v3, vm0, $0xb8;
	[tilespmem:$0x8080] =	vst v63  }
0x4f: {  	_ = 	snop  }
0x50: {  	[tilespmem:s26], [sflag:$0x1] =	stream.indirect_vreg.gather [hbm4b:s5+s2], $0x80, v3, vm0, $0xb8;
	[tilespmem:$0x8080] =	vst v63  }
0x51: {  	_ =	swait.ge [sflag:s28], $0x8000  }
0x52: {  	[sflag:s28] =	ssyncset.done $0x0  }
0x53: {  	[sflag:s28] =	ssyncadd.s32 $0xFFFF8000  }
0x54: {  	[hbm4b:s6+s2] =	stream.linear.scatter [tilespmem:s11], [sflag:$0x2], $0x8000, $0x38;
	[tilespmem:$0x8080] =	vst v63  }
0x55: {  	_ =	swait.ge [sflag:s10], $0x8000  }
0x56: {  	[sflag:s10] =	ssyncset.done $0x0  }
0x57: {  	[sflag:s10] =	ssyncadd.s32 $0xFFFF8000  }
0x58: {  	[tilespmem:s2], [sflag:$0x2] =	stream.linear.gather [hbm4b:s7+s2], $0x40, $0x38;
	[tilespmem:$0x8080] =	vst v63  }
0x59: {  	_ =	swait.ge [sflag:s10], $0x40  }
0x5a: {  	[sflag:s10] =	ssyncset.done $0x0  }
0x5b: {  	[sflag:s10] =	ssyncadd.s32 $0xFFFFFFC0  }
0x5c: {  	v3 =	vld [tilespmem:$0x0];
	_ =	sdelay $0x4  }
0x5d: {  	v60 =	vshll.u32 v3, $0x2  }
0x5e: {  	v3 =	vand.u32 $0x7, v3;
	v4 =	vand.u32 $0xFFFFFFE0, v60  }
0x5f: {  	v3 =	vor.u32 v3, v4  }
0x60: {  	v4 =	vperm.xlane v3, v0;
	_ =	sdelay $0x1  }
0x61: {  	v4 =	vadd.s32 v1, v4;
	_ =	sdelay $0x1  }
0x62: {  	v3 =	vperm.xlane v3, v2;
	_ =	sdelay $0x1  }
0x63: {  	v3 =	vadd.s32 v1, v3  }
0x64: {  	[tilespmem:s11], [sflag:$0x1] =	stream.indirect_vreg.gather [hbm4b:s3+s2], $0x80, v4, vm0, $0xb8;
	[tilespmem:$0x8080] =	vst v63  }
0x65: {  	_ = 	snop  }
0x66: {  	[tilespmem:s12], [sflag:$0x1] =	stream.indirect_vreg.gather [hbm4b:s5+s2], $0x80, v4, vm0, $0xb8;
	[tilespmem:$0x8080] =	vst v63  }
0x67: {  	_ = 	snop  }
0x68: {  	[tilespmem:s13], [sflag:$0x1] =	stream.indirect_vreg.gather [hbm4b:s3+s2], $0x80, v3, vm0, $0xb8;
	[tilespmem:$0x8080] =	vst v63  }
0x69: {  	_ = 	snop  }
0x6a: {  	[tilespmem:s14], [sflag:$0x1] =	stream.indirect_vreg.gather [hbm4b:s5+s2], $0x80, v3, vm0, $0xb8;
	[tilespmem:$0x8080] =	vst v63  }
0x6b: {  	v3 =	vld [tilespmem:$0x10];
	_ =	sdelay $0x4  }
0x6c: {  	v61 =	vshll.u32 v3, $0x2  }
0x6d: {  	v3 =	vand.u32 $0x7, v3;
	v4 =	vand.u32 $0xFFFFFFE0, v61  }
0x6e: {  	v3 =	vor.u32 v3, v4  }
0x6f: {  	v4 =	vperm.xlane v3, v0;
	_ =	sdelay $0x1  }
0x70: {  	v4 =	vadd.s32 v1, v4;
	_ =	sdelay $0x1  }
0x71: {  	v3 =	vperm.xlane v3, v2;
	_ =	sdelay $0x1  }
0x72: {  	v3 =	vadd.s32 v1, v3  }
0x73: {  	[tilespmem:s15], [sflag:$0x1] =	stream.indirect_vreg.gather [hbm4b:s3+s2], $0x80, v4, vm0, $0xb8;
	[tilespmem:$0x8080] =	vst v63  }
0x74: {  	_ = 	snop  }
0x75: {  	[tilespmem:s16], [sflag:$0x1] =	stream.indirect_vreg.gather [hbm4b:s5+s2], $0x80, v4, vm0, $0xb8;
	[tilespmem:$0x8080] =	vst v63  }
0x76: {  	_ = 	snop  }
0x77: {  	[tilespmem:s17], [sflag:$0x1] =	stream.indirect_vreg.gather [hbm4b:s3+s2], $0x80, v3, vm0, $0xb8;
	[tilespmem:$0x8080] =	vst v63  }
0x78: {  	_ = 	snop  }
0x79: {  	[tilespmem:s18], [sflag:$0x1] =	stream.indirect_vreg.gather [hbm4b:s5+s2], $0x80, v3, vm0, $0xb8;
	[tilespmem:$0x8080] =	vst v63  }
0x7a: {  	v3 =	vld [tilespmem:$0x20];
	_ =	sdelay $0x4  }
0x7b: {  	v62 =	vshll.u32 v3, $0x2  }
0x7c: {  	v3 =	vand.u32 $0x7, v3;
	v4 =	vand.u32 $0xFFFFFFE0, v62  }
0x7d: {  	v3 =	vor.u32 v3, v4  }
0x7e: {  	v4 =	vperm.xlane v3, v0;
	_ =	sdelay $0x1  }
0x7f: {  	v4 =	vadd.s32 v1, v4;
	_ =	sdelay $0x1  }
0x80: {  	v3 =	vperm.xlane v3, v2;
	_ =	sdelay $0x1  }
0x81: {  	v3 =	vadd.s32 v1, v3  }
0x82: {  	[tilespmem:s19], [sflag:$0x1] =	stream.indirect_vreg.gather [hbm4b:s3+s2], $0x80, v4, vm0, $0xb8;
	[tilespmem:$0x8080] =	vst v63  }
0x83: {  	_ = 	snop  }
0x84: {  	[tilespmem:s20], [sflag:$0x1] =	stream.indirect_vreg.gather [hbm4b:s5+s2], $0x80, v4, vm0, $0xb8;
	[tilespmem:$0x8080] =	vst v63  }
0x85: {  	_ = 	snop  }
0x86: {  	[tilespmem:s21], [sflag:$0x1] =	stream.indirect_vreg.gather [hbm4b:s3+s2], $0x80, v3, vm0, $0xb8;
	[tilespmem:$0x8080] =	vst v63  }
0x87: {  	_ = 	snop  }
0x88: {  	[tilespmem:s22], [sflag:$0x1] =	stream.indirect_vreg.gather [hbm4b:s5+s2], $0x80, v3, vm0, $0xb8;
	[tilespmem:$0x8080] =	vst v63  }
0x89: {  	v3 =	vld [tilespmem:$0x30];
	_ =	sdelay $0x4  }
0x8a: {  	v63 =	vshll.u32 v3, $0x2  }
0x8b: {  	v3 =	vand.u32 $0x7, v3;
	v4 =	vand.u32 $0xFFFFFFE0, v63  }
0x8c: {  	v3 =	vor.u32 v3, v4  }
0x8d: {  	v4 =	vperm.xlane v3, v0;
	_ =	sdelay $0x1  }
0x8e: {  	v4 =	vadd.s32 v1, v4;
	_ =	sdelay $0x1  }
0x8f: {  	v3 =	vperm.xlane v3, v2;
	_ =	sdelay $0x1  }
0x90: {  	v3 =	vadd.s32 v1, v3  }
0x91: {  	[tilespmem:s23], [sflag:$0x1] =	stream.indirect_vreg.gather [hbm4b:s3+s2], $0x80, v4, vm0, $0xb8;
	[tilespmem:$0x8080] =	vst v63  }
0x92: {  	_ = 	snop  }
0x93: {  	[tilespmem:s24], [sflag:$0x1] =	stream.indirect_vreg.gather [hbm4b:s5+s2], $0x80, v4, vm0, $0xb8;
	[tilespmem:$0x8080] =	vst v63  }
0x94: {  	_ = 	snop  }
0x95: {  	[tilespmem:s25], [sflag:$0x1] =	stream.indirect_vreg.gather [hbm4b:s3+s2], $0x80, v3, vm0, $0xb8;
	[tilespmem:$0x8080] =	vst v63  }
0x96: {  	_ = 	snop  }
0x97: {  	[tilespmem:s26], [sflag:$0x1] =	stream.indirect_vreg.gather [hbm4b:s5+s2], $0x80, v3, vm0, $0xb8;
	[tilespmem:$0x8080] =	vst v63  }
0x98: {  	_ =	swait.ge [sflag:s28], $0x8000  }
0x99: {  	p0 =	sne.s32 s9, $0x1;
	[sflag:s28] =	ssyncset.done $0x0  }
.Ltmp0:
0x9a: {  	[sflag:s28] =	ssyncadd.s32 $0xFFFF8000;
	(pc) =	sbr.rel @p0 .LBB2_1-.Ltmp0, $4  }
0x9b: {  	[hbm4b:s8+s2] =	stream.linear.scatter [tilespmem:s11], [sflag:$0x2], $0x8000, $0x38;
	[tilespmem:$0x8080] =	vst v63  }
0x9c: {  	_ =	swait.ge [sflag:s10], $0x8000  }
0x9d: {  	[sflag:s10] =	ssyncset.done $0x0  }
0x9e: {  	s9 =	sadd.s32 $0xFFFFFFFF, s9;
	[sflag:s10] =	ssyncadd.s32 $0xFFFF8000  }
0x9f: {  	_ =	sfence.sel $0x180000  }
0xa0: {  	[bflag:$0x0] =	sbarrier.arrive $0xFFFF  }
0xa1: {  	p0 =	sne.s32 s1, $0x0;
	_ =	strace $0x90000050  }
0xa2: {  	s0 =	sadd.s32 @!p0 $0x100000, s0;
	[bflag:$0x2] =	sbarrier.arrive $0xFFFF  }
0xa3: {  	[sflag:s0] =	ssyncadd.tile.s32 @!p0 $0x1;
	_ =	shalt  }
.Lfunc_end2:
_tile_overlayer_lowered:
.L_overlay_start_2:
0xa4: {  	(tag) =	ssettag $0x2  }
0xa5: {  	s0 =	rddreg [dreg:$0x0];
	s2 =	stileid.u32  }
0xa6: {  	s1 =	rddreg [dreg:$0x1];
	p0 =	sne.s32 s2, $0x0  }
0xa7: {  	s3 =	rddreg [dreg:$0x2];
	[bflag:$0x3] =	sbarrier.arrive $0xFFFF;
	s2 =	simm.s32 @!p0 $0x1C02  }
0xa8: {  	[timem:s3], [sflag:s2] =	dma.local @!p0 [hbm:s0], s1  }
0xa9: {  	s0 =	simm.s32 @!p0 $0x2  }
0xaa: {  	_ =	swait.ge @!p0 [sflag:s0], s1  }
0xab: {  	s1 =	ssub.s32 @!p0 $0x0, s1;
	[sflag:s0] =	ssyncset.done @!p0 $0x0  }
0xac: {  	[sflag:s0] =	ssyncadd.s32 @!p0 s1  }
0xad: {  	[bflag:$0x3] =	sbarrier.arrive $0xFFFF  }
0xae: {  	_ =	shalt  }

// kernel: kernel.7.cloned.1.call-start
scs
__scs_entry_jumppad:
0x0: {  	(pc) =	sbr.rel $0x88, $3  }
0x1: {  	(tag) =	ssettag $0x0;
	lr =	simm.s32 $0x1  }
0x2: {  	[smem:$0x3F99] =	sst lr;
	_ =	strace $0xD0000000  }
0x3: {  	_ = 	snop  }
0x4: {  	_ = 	snop  }
0x5: {  	_ = 	snop  }
0x6: {  	_ = 	snop  }
0x7: {  	_ = 	snop  }
__scs_overlays_trampoline_lowered:
0x8: {  	[smem:$0x3FA8] =	sst s0  }
0x9: {  	[smem:$0x3FA9] =	sst s1  }
0xa: {  	[smem:$0x3FAA] =	sst s2  }
0xb: {  	[smem:$0x3FAB] =	sst s3  }
0xc: {  	[smem:$0x3FAC] =	sst s4  }
0xd: {  	[smem:$0x3FAD] =	sst s5  }
0xe: {  	[smem:$0x3FAE] =	sst s6  }
0xf: {  	[smem:$0x3FAF] =	sst s7  }
0x10: {  	[smem:$0x3FB0] =	sst s8  }
0x11: {  	[smem:$0x3FB1] =	sst s9;
	s0 =	simm.s32 @!p0 $0x0  }
0x12: {  	s1 =	sld [smem:$0x3F97];
	s0 =	simm.s32 @p0 $0x1  }
0x13: {  	[smem:$0x3FB2] =	sst s0;
	s0 =	simm.s32 @!p1 $0x0  }
0x14: {  	s2 =	sld [smem:$0x3F96];
	s0 =	simm.s32 @p1 $0x1  }
0x15: {  	[smem:$0x3FB3] =	sst s0;
	s0 =	simm.s32 @!p2 $0x0  }
0x16: {  	s3 =	sld [smem:$0x3FDB];
	s0 =	simm.s32 @p2 $0x1  }
0x17: {  	s4 =	simm.s32 $0x1BF5;
	[smem:$0x3FB5] =	sst s0  }
0x18: {  	s0 =	sld [smem:$0x3F98];
	_ =	swait.ge [sflag:s4], $0x0  }
0x19: {  	s7 =	sld [smem:$0x3F99]  }
0x1a: {  	s8 =	sadd.s32 $0xFFFFE003, lr  }
0x1b: {  	s9 =	sadd.s32 $0xFFFFFEF7, lr;
	s5 =	simm.s32 $0xFFFFFFFF;
	p2 =	slt.u32 s8, $0xFFFFF086  }
0x1c: {  	p1 =	slt.u32 s9, $0xF7A;
	s5 =	simm.s32 @!p2 $0x0  }
0x1d: {  	s5 =	simm.s32 @p1 $0x1;
	p0 =	seq.s32 s7, s2  }
0x1e: {  	s7 =	smul.u32 @!p0 $0xF7A, s2;
	p2 =	seq.s32 @!p0 s5, $0x0  }
0x1f: {  	s9 =	smul.u32 $0xF7A, s1;
	s8 =	simm.s32 @!p0 $0x1BF5;
	p2 =	por !p2, p0  }
0x20: {  	[sflag:s8] =	ssyncset.s32 @!p0 $0xFFFFF086;
	s6 =	sadd.s32 @!p0 s3, s7;
	s7 =	simm.s32 @!p0 $0x108  }
0x21: {  	s3 =	sadd.s32 s3, s9;
	s6 =	sadd.s32 @!p0 $0x88, s6;
	s7 =	simm.s32 @p2 $0x1082  }
0x22: {  	[simem:s7], [sflag:s8] =	dma.local @!p0 [hbm:s6], $0xF7A  }
0x23: {  	s9 =	sor.u32 $0xD0000000, s2;
	s6 =	simm.s32 $0x108;
	_ =	swait.ge @!p0 [sflag:s8], $0x0  }
0x24: {  	s3 =	sadd.s32 $0x88, s3;
	s6 =	simm.s32 @!p1 $0x1082;
	[sflag:s4] =	ssyncset.s32 $0xFFFFF086  }
0x25: {  	[simem:s6], [sflag:s4] =	dma.local [hbm:s3], $0xF7A  }
0x26: {  	[smem:$0x3F99] =	sst s1;
	(tag) =	ssettag s2;
	_ =	strace s9  }
0x27: {  	s1 =	sld [smem:$0x3FA9]  }
0x28: {  	s2 =	sld [smem:$0x3FAA]  }
0x29: {  	s4 =	sld [smem:$0x3FAC]  }
0x2a: {  	p0 =	seq.s32 s5, $0x0;
	s5 =	sld [smem:$0x3FAD]  }
0x2b: {  	s6 =	sld [smem:$0x3FAE]  }
0x2c: {  	s7 =	sld [smem:$0x3FAF]  }
0x2d: {  	s3 =	simm.s32 $0x108;
	s8 =	sld [smem:$0x3FB0]  }
0x2e: {  	s3 =	simm.s32 @!p0 $0x1082;
	s9 =	sld [smem:$0x3FB1]  }
0x2f: {  	lr =	sadd.s32 s0, s3;
	s0 =	sld [smem:$0x3FA8]  }
0x30: {  	s3 =	sld [smem:$0x3FAB]  }
0x31: {  	[smem:$0x3FB4] =	sst s10  }
0x32: {  	s10 =	sld [smem:$0x3FB2];
	_ =	sdelay $0x3  }
0x33: {  	p0 =	seq.s32 s10, $0x1;
	s10 =	sld [smem:$0x3FB4];
	_ =	sdelay $0x3  }
0x34: {  	[smem:$0x3FB4] =	sst s10  }
0x35: {  	s10 =	sld [smem:$0x3FB3];
	_ =	sdelay $0x3  }
0x36: {  	p1 =	seq.s32 s10, $0x1;
	s10 =	sld [smem:$0x3FB4];
	_ =	sdelay $0x3  }
0x37: {  	[smem:$0x3FB4] =	sst s10  }
0x38: {  	s10 =	sld [smem:$0x3FB5]  }
0x39: {  	_ = 	snop;
	(pc) =	sbr.ind lr, $3  }
0x3a: {  	_ = 	snop  }
0x3b: {  	_ = 	snop  }
0x3c: {  	p2 =	seq.s32 s10, $0x1;
	s10 =	sld [smem:$0x3FB4]  }
0x3d: {  	_ =	shalt  }
0x3e: {  	_ =	shalt  }
0x3f: {  	_ =	shalt  }
0x40: {  	_ =	shalt  }
0x41: {  	_ =	shalt  }
0x42: {  	_ =	shalt  }
0x43: {  	_ =	shalt  }
0x44: {  	_ =	shalt  }
0x45: {  	_ =	shalt  }
0x46: {  	_ =	shalt  }
0x47: {  	_ =	shalt  }
0x48: {  	_ =	shalt  }
0x49: {  	_ =	shalt  }
0x4a: {  	_ =	shalt  }
0x4b: {  	_ =	shalt  }
0x4c: {  	_ =	shalt  }
0x4d: {  	_ =	shalt  }
0x4e: {  	_ =	shalt  }
0x4f: {  	_ =	shalt  }
0x50: {  	_ =	shalt  }
0x51: {  	_ =	shalt  }
0x52: {  	_ =	shalt  }
0x53: {  	_ =	shalt  }
0x54: {  	_ =	shalt  }
0x55: {  	_ =	shalt  }
0x56: {  	_ =	shalt  }
0x57: {  	_ =	shalt  }
0x58: {  	_ =	shalt  }
0x59: {  	_ =	shalt  }
0x5a: {  	_ =	shalt  }
0x5b: {  	_ =	shalt  }
0x5c: {  	_ =	shalt  }
0x5d: {  	_ =	shalt  }
0x5e: {  	_ =	shalt  }
0x5f: {  	_ =	shalt  }
0x60: {  	_ =	shalt  }
0x61: {  	_ =	shalt  }
0x62: {  	_ =	shalt  }
0x63: {  	_ =	shalt  }
0x64: {  	_ =	shalt  }
0x65: {  	_ =	shalt  }
0x66: {  	_ =	shalt  }
0x67: {  	_ =	shalt  }
0x68: {  	_ =	shalt  }
0x69: {  	_ =	shalt  }
0x6a: {  	_ =	shalt  }
0x6b: {  	_ =	shalt  }
0x6c: {  	_ =	shalt  }
0x6d: {  	_ =	shalt  }
0x6e: {  	_ =	shalt  }
0x6f: {  	_ =	shalt  }
0x70: {  	_ =	shalt  }
0x71: {  	_ =	shalt  }
0x72: {  	_ =	shalt  }
0x73: {  	_ =	shalt  }
0x74: {  	_ =	shalt  }
0x75: {  	_ =	shalt  }
0x76: {  	_ =	shalt  }
0x77: {  	_ =	shalt  }
0x78: {  	_ =	shalt  }
0x79: {  	_ =	shalt  }
0x7a: {  	_ =	shalt  }
0x7b: {  	_ =	shalt  }
0x7c: {  	_ =	shalt  }
0x7d: {  	_ =	shalt  }
0x7e: {  	_ =	shalt  }
0x7f: {  	_ =	shalt  }
0x80: {  	_ =	shalt  }
0x81: {  	_ =	shalt  }
0x82: {  	_ =	shalt  }
0x83: {  	_ =	shalt  }
0x84: {  	_ =	shalt  }
0x85: {  	_ =	shalt  }
0x86: {  	_ =	shalt  }
0x87: {  	_ =	shalt  }
.Lfunc_end0:
.L_simem_size_0:
called_computation.2_lowered:
.L_overlay_start_0:
0x88: {  	s2 =	sld [smem:$0x3FD9]  }
0x89: {  	s3 =	sld [smem:$0x3FFE];
	_ =	sdelay $0x1  }
0x8a: {  	s1 =	srdreg.scid  }
0x8b: {  	s0 =	sand.u32 $0x1, s1  }
0x8c: {  	s17 =	sshll.u32 s0, $0xA;
	s2 =	sadd.s32 s3, s2  }
0x8d: {  	s2 =	sadd.s32 s2, s17  }
0x8e: {  	[smem:$0x3FC0] =	sst s2  }
0x8f: {  	_ = 	snop  }
0x90: {  	s2 =	sld [smem:$0x3FD0];
	(tm) =	ssettm $0x1  }
0x91: {  	s18 =	sld [smem:$0x3FFB];
	_ =	sdelay $0x3  }
0x92: {  	_ =	strace s18  }
0x93: {  	s3 =	sld [smem:$0x3FFC];
	_ =	sdelay $0x3  }
0x94: {  	_ =	strace s3  }
0x95: {  	s3 =	sld [smem:$0x3FFD];
	_ =	sdelay $0x3  }
0x96: {  	_ =	strace s3  }
0x97: {  	_ =	strace $0x8FFFFFFF  }
0x98: {  	s19 =	sld [smem:$0x3FDB];
	_ =	sdelay $0x1  }
0x99: {  	s4 =	simm.s32 $_scs_section_size  }
0x9a: {  	s5 =	simm.s32 $_size__tile_overlayer_lowered;
	s6 =	simm.s32 $_tile_overlayer_lowered  }
0x9b: {  	s22 =	simm.s32 $0x1BFF;
	s21 =	sshll.u32 s6, $0x1;
	s3 =	sadd.s32 s4, s19  }
0x9c: {  	s7 =	simm.s32 $0x0;
	s20 =	sshll.u32 s5, $0x1;
	s5 =	sadd.s32 s21, s3  }
0x9d: {  	[timem:s7], [sflag:s22] =	dma.local [hbm:s5], s20  }
0x9e: {  	_ =	swait.ge [sflag:s22], s20  }
0x9f: {  	s4 =	ssub.s32 $0x0, s20;
	[sflag:s22] =	ssyncset.done $0x0  }
0xa0: {  	[sflag:s22] =	ssyncadd.s32 s4;
	_ =	sdelay $0x1  }
0xa1: {  	s23 =	simm.s32 $0x1B8B  }
0xa2: {  	_ =	swait.ge [sflag:s23], $0x1  }
0xa3: {  	[sflag:s23] =	ssyncset.done $0x0  }
0xa4: {  	s25 =	simm.s32 $0x1B8E;
	s24 =	sld [smem:$0x3FFE];
	[sflag:s23] =	ssyncadd.s32 $0xFFFFFFFF  }
0xa5: {  	s26 =	simm.s32 $execute0_lowered;
	[smem:$0x3FD2] =	sst s25  }
0xa6: {  	s5 =	sshll.u32 s26, $0x1;
	_ =	strace $0x80000046;
	[dreg:$0x1] =	wrdreg $0xFFFFFFFF  }
0xa7: {  	s28 =	simm.s32 $_size_execute0_lowered;
	s3 =	sadd.s32 s3, s5;
	[dreg:$0x0] =	wrdreg $0x0  }
0xa8: {  	s5 =	sshll.u32 s28, $0x1;
	[dreg:$0x2] =	wrdreg s3  }
0xa9: {  	[dreg:$0x3] =	wrdreg s5  }
0xaa: {  	[dreg:$0x4] =	wrdreg $0xC0  }
0xab: {  	_ =	task [dreg:s7], $0x5FFFF  }
0xac: {  	[dreg:$0x1] =	wrdreg $0xFFFFFFFF  }
0xad: {  	[dreg:$0x0] =	wrdreg $0x60  }
0xae: {  	[dreg:$0x2] =	wrdreg s2  }
0xaf: {  	[dreg:$0x3] =	wrdreg s24  }
0xb0: {  	[dreg:$0x4] =	wrdreg $0x9  }
0xb1: {  	_ =	task.clear_ibuf [dreg:s7], $0x5FFFF;
	_ =	strace $0x90000046  }
0xb2: {  	s29 =	simm.s32 $0x9;
	_ =	strace $0x80000048  }
0xb3: {  	_ =	swait.ge [sflag:s29], $0x1  }
0xb4: {  	[sflag:s29] =	ssyncadd.s32 $0xFFFFFFFF  }
0xb5: {  	_ =	strace $0x90000048  }
0xb6: {  	_ =	sfence  }
0xb7: {  	s30 =	sld [smem:$0x0];
	_ =	sdelay $0x2  }
0xb8: {  	s31 =	sshll.u32 s1, $0xD;
	s1 =	sshrl.u32 s1, $0x2  }
0xb9: {  	s3 =	sand.u32 $0x4000, s31;
	s1 =	sadd.s32 s1, s30  }
0xba: {  	s0 =	sor.u32 s3, s0;
	s1 =	sshll.u32 s1, $0x11  }
0xbb: {  	s0 =	sor.u32 s1, s0  }
0xbc: {  	s0 =	sadd.s32 $0x8F2B, s0  }
0xbd: {  	[sflag:s0] =	ssyncadd.remote.s32 $0x1  }
0xbe: {  	_ =	sfence.sel $0xFFFF  }
0xbf: {  	[dreg:$0x0] =	wrdreg $0xFFFFFFFF;
	(pc) =	sbr.abs _section_cstart, $3  }
0xc0: {  	[dreg:$0x1] =	wrdreg $0xFFFFFFFF  }
0xc1: {  	_ =	task.clear_ibuf [dreg:s7], $0x2FFFF;
	_ =	strace $0x9FFFFFFF  }
0xc2: {  	(tm) =	ssettm $0x7FFFFFFF  }
0xc3: {  	_ =	shalt  }
tec
execute0_lowered:
.L_overlay_start_1:
0x0: {  	(tag) =	ssettag $0x1  }
0x1: {  	s4 =	rddreg [dreg:$0x0]  }
0x2: {  	s6 =	rddreg [dreg:$0x1];
	s2 =	srdreg.scid  }
0x3: {  	s0 =	rddreg [dreg:$0x2];
	s1 =	stileid.u32  }
0x4: {  	s11 =	simm.s32 $0x2;
	s12 =	simm.s32 $0x880;
	s13 =	simm.s32 $0x1080  }
0x5: {  	s14 =	simm.s32 $0x1880;
	s15 =	simm.s32 $0x2080;
	s16 =	simm.s32 $0x2880  }
0x6: {  	s17 =	simm.s32 $0x3080;
	s18 =	simm.s32 $0x3880;
	s19 =	simm.s32 $0x4080  }
0x7: {  	s20 =	simm.s32 $0x4880;
	s21 =	simm.s32 $0x5080;
	s22 =	simm.s32 $0x5880  }
0x8: {  	s23 =	simm.s32 $0x6080;
	s24 =	simm.s32 $0x6880;
	s25 =	simm.s32 $0x7080  }
0x9: {  	s26 =	simm.s32 $0x7880;
	s28 =	simm.s32 $0x1;
	s3 =	sand.u32 $0x1, s2  }
0xa: {  	s2 =	simm.s32 $0x0;
	s5 =	sshll.u32 s1, $0x7;
	s7 =	sshll.u32 s3, $0x6  }
0xb: {  	[smem:$0x7FF] =	sst s2;
	s8 =	ssub.s32 $0x2, s3;
	s3 =	sadd.s32 $0xBE00, s6  }
0xc: {  	s5 =	sor.u32 s7, s5;
	_ =	strace $0x80000047;
	s9 =	sshrl.u32 s8, $0x1  }
0xd: {  	s7 =	sshrl.u32 s5, $0x3;
	s10 =	sshll.u32 s5, $0x6;
	s9 =	ssub.s32 s8, s9  }
0xe: {  	v2 =	vlaneseq.u32;
	s7 =	sadd.s32 s7, s6;
	s4 =	sadd.s32 s4, s10;
	s6 =	sadd.s32 $0xBF00, s6  }
0xf: {  	vm0 =	vmmov $0xffff;
	v1 =	vshrl.u32 v2, $0x3;
	s31 =	sadd.s32 s10, s3;
	s9 =	smax.u32 s9, $0x1;
	s10 =	simm.s32 $0x80  }
0x10: {  	v0 =	vand.u32 $0x7, v2;
	v2 =	vor.u32 $0x8, v2;
	v1 =	vmul.u32 $0x8, v1;
	s5 =	sadd.s32 $0xBA00, s7;
	s7 =	sadd.s32 $0xBC00, s7;
	s8 =	sadd.s32 $0x60000, s31  }
.LBB2_1:
0x11: {  	[tilespmem:s10], [sflag:$0x2] =	stream.linear.gather [hbm4b:s4+s2], $0x8000, $0x38;
	[tilespmem:$0x8080] =	vst v63  }
0x12: {  	_ =	swait.ge [sflag:s11], $0x8000  }
0x13: {  	[sflag:s11] =	ssyncset.done $0x0  }
0x14: {  	[sflag:s11] =	ssyncadd.s32 $0xFFFF8000  }
0x15: {  	[tilespmem:s2], [sflag:$0x2] =	stream.linear.gather [hbm4b:s5+s2], $0x40, $0x38;
	[tilespmem:$0x8080] =	vst v63  }
0x16: {  	_ =	swait.ge [sflag:s11], $0x40  }
0x17: {  	[sflag:s11] =	ssyncset.done $0x0  }
0x18: {  	[sflag:s11] =	ssyncadd.s32 $0xFFFFFFC0  }
0x19: {  	v3 =	vld [tilespmem:$0x0];
	_ =	sdelay $0x4  }
0x1a: {  	v4 =	vshll.u32 v3, $0x2  }
0x1b: {  	v3 =	vand.u32 $0x7, v3;
	v4 =	vand.u32 $0xFFFFFFE0, v4  }
0x1c: {  	v3 =	vor.u32 v3, v4  }
0x1d: {  	v4 =	vperm.xlane v3, v0;
	_ =	sdelay $0x1  }
0x1e: {  	v4 =	vadd.s32 v1, v4;
	_ =	sdelay $0x1  }
0x1f: {  	v3 =	vperm.xlane v3, v2;
	_ =	sdelay $0x1  }
0x20: {  	v3 =	vadd.s32 v1, v3  }
0x21: {  	[hbm4b:s3+s2] =	stream.indirect_vreg.scatter [tilespmem:s10], [sflag:$0x1], $0x80, v4, vm0, $0xb8;
	[tilespmem:$0x8080] =	vst v63  }
0x22: {  	_ = 	snop  }
0x23: {  	[hbm4b:s6+s2] =	stream.indirect_vreg.scatter [tilespmem:s12], [sflag:$0x1], $0x80, v4, vm0, $0xb8;
	[tilespmem:$0x8080] =	vst v63  }
0x24: {  	_ = 	snop  }
0x25: {  	[hbm4b:s3+s2] =	stream.indirect_vreg.scatter [tilespmem:s13], [sflag:$0x1], $0x80, v3, vm0, $0xb8;
	[tilespmem:$0x8080] =	vst v63  }
0x26: {  	_ = 	snop  }
0x27: {  	[hbm4b:s6+s2] =	stream.indirect_vreg.scatter [tilespmem:s14], [sflag:$0x1], $0x80, v3, vm0, $0xb8;
	[tilespmem:$0x8080] =	vst v63  }
0x28: {  	v3 =	vld [tilespmem:$0x10];
	_ =	sdelay $0x4  }
0x29: {  	v57 =	vshll.u32 v3, $0x2  }
0x2a: {  	v3 =	vand.u32 $0x7, v3;
	v4 =	vand.u32 $0xFFFFFFE0, v57  }
0x2b: {  	v3 =	vor.u32 v3, v4  }
0x2c: {  	v4 =	vperm.xlane v3, v0;
	_ =	sdelay $0x1  }
0x2d: {  	v4 =	vadd.s32 v1, v4;
	_ =	sdelay $0x1  }
0x2e: {  	v3 =	vperm.xlane v3, v2;
	_ =	sdelay $0x1  }
0x2f: {  	v3 =	vadd.s32 v1, v3  }
0x30: {  	[hbm4b:s3+s2] =	stream.indirect_vreg.scatter [tilespmem:s15], [sflag:$0x1], $0x80, v4, vm0, $0xb8;
	[tilespmem:$0x8080] =	vst v63  }
0x31: {  	_ = 	snop  }
0x32: {  	[hbm4b:s6+s2] =	stream.indirect_vreg.scatter [tilespmem:s16], [sflag:$0x1], $0x80, v4, vm0, $0xb8;
	[tilespmem:$0x8080] =	vst v63  }
0x33: {  	_ = 	snop  }
0x34: {  	[hbm4b:s3+s2] =	stream.indirect_vreg.scatter [tilespmem:s17], [sflag:$0x1], $0x80, v3, vm0, $0xb8;
	[tilespmem:$0x8080] =	vst v63  }
0x35: {  	_ = 	snop  }
0x36: {  	[hbm4b:s6+s2] =	stream.indirect_vreg.scatter [tilespmem:s18], [sflag:$0x1], $0x80, v3, vm0, $0xb8;
	[tilespmem:$0x8080] =	vst v63  }
0x37: {  	v3 =	vld [tilespmem:$0x20];
	_ =	sdelay $0x4  }
0x38: {  	v58 =	vshll.u32 v3, $0x2  }
0x39: {  	v3 =	vand.u32 $0x7, v3;
	v4 =	vand.u32 $0xFFFFFFE0, v58  }
0x3a: {  	v3 =	vor.u32 v3, v4  }
0x3b: {  	v4 =	vperm.xlane v3, v0;
	_ =	sdelay $0x1  }
0x3c: {  	v4 =	vadd.s32 v1, v4;
	_ =	sdelay $0x1  }
0x3d: {  	v3 =	vperm.xlane v3, v2;
	_ =	sdelay $0x1  }
0x3e: {  	v3 =	vadd.s32 v1, v3  }
0x3f: {  	[hbm4b:s3+s2] =	stream.indirect_vreg.scatter [tilespmem:s19], [sflag:$0x1], $0x80, v4, vm0, $0xb8;
	[tilespmem:$0x8080] =	vst v63  }
0x40: {  	_ = 	snop  }
0x41: {  	[hbm4b:s6+s2] =	stream.indirect_vreg.scatter [tilespmem:s20], [sflag:$0x1], $0x80, v4, vm0, $0xb8;
	[tilespmem:$0x8080] =	vst v63  }
0x42: {  	_ = 	snop  }
0x43: {  	[hbm4b:s3+s2] =	stream.indirect_vreg.scatter [tilespmem:s21], [sflag:$0x1], $0x80, v3, vm0, $0xb8;
	[tilespmem:$0x8080] =	vst v63  }
0x44: {  	_ = 	snop  }
0x45: {  	[hbm4b:s6+s2] =	stream.indirect_vreg.scatter [tilespmem:s22], [sflag:$0x1], $0x80, v3, vm0, $0xb8;
	[tilespmem:$0x8080] =	vst v63  }
0x46: {  	v3 =	vld [tilespmem:$0x30];
	_ =	sdelay $0x4  }
0x47: {  	v59 =	vshll.u32 v3, $0x2  }
0x48: {  	v3 =	vand.u32 $0x7, v3;
	v4 =	vand.u32 $0xFFFFFFE0, v59  }
0x49: {  	v3 =	vor.u32 v3, v4  }
0x4a: {  	v4 =	vperm.xlane v3, v0;
	_ =	sdelay $0x1  }
0x4b: {  	v4 =	vadd.s32 v1, v4;
	_ =	sdelay $0x1  }
0x4c: {  	v3 =	vperm.xlane v3, v2;
	_ =	sdelay $0x1  }
0x4d: {  	v3 =	vadd.s32 v1, v3  }
0x4e: {  	[hbm4b:s3+s2] =	stream.indirect_vreg.scatter [tilespmem:s23], [sflag:$0x1], $0x80, v4, vm0, $0xb8;
	[tilespmem:$0x8080] =	vst v63  }
0x4f: {  	_ = 	snop  }
0x50: {  	[hbm4b:s6+s2] =	stream.indirect_vreg.scatter [tilespmem:s24], [sflag:$0x1], $0x80, v4, vm0, $0xb8;
	[tilespmem:$0x8080] =	vst v63  }
0x51: {  	_ = 	snop  }
0x52: {  	[hbm4b:s3+s2] =	stream.indirect_vreg.scatter [tilespmem:s25], [sflag:$0x1], $0x80, v3, vm0, $0xb8;
	[tilespmem:$0x8080] =	vst v63  }
0x53: {  	_ = 	snop  }
0x54: {  	[hbm4b:s6+s2] =	stream.indirect_vreg.scatter [tilespmem:s26], [sflag:$0x1], $0x80, v3, vm0, $0xb8;
	[tilespmem:$0x8080] =	vst v63  }
0x55: {  	_ =	swait.ge [sflag:s28], $0x8000  }
0x56: {  	[sflag:s28] =	ssyncset.done $0x0  }
0x57: {  	[sflag:s28] =	ssyncadd.s32 $0xFFFF8000  }
0x58: {  	[tilespmem:s2], [sflag:$0x2] =	stream.linear.gather [hbm4b:s7+s2], $0x40, $0x38;
	[tilespmem:$0x8080] =	vst v63  }
0x59: {  	_ =	swait.ge [sflag:s11], $0x40  }
0x5a: {  	[sflag:s11] =	ssyncset.done $0x0  }
0x5b: {  	[sflag:s11] =	ssyncadd.s32 $0xFFFFFFC0  }
0x5c: {  	v3 =	vld [tilespmem:$0x0];
	_ =	sdelay $0x4  }
0x5d: {  	v60 =	vshll.u32 v3, $0x2  }
0x5e: {  	v3 =	vand.u32 $0x7, v3;
	v4 =	vand.u32 $0xFFFFFFE0, v60  }
0x5f: {  	v3 =	vor.u32 v3, v4  }
0x60: {  	v4 =	vperm.xlane v3, v0;
	_ =	sdelay $0x1  }
0x61: {  	v4 =	vadd.s32 v1, v4;
	_ =	sdelay $0x1  }
0x62: {  	v3 =	vperm.xlane v3, v2;
	_ =	sdelay $0x1  }
0x63: {  	v3 =	vadd.s32 v1, v3  }
0x64: {  	[hbm4b:s3+s2] =	stream.indirect_vreg.scatter [tilespmem:s10], [sflag:$0x1], $0x80, v4, vm0, $0xb8;
	[tilespmem:$0x8080] =	vst v63  }
0x65: {  	_ = 	snop  }
0x66: {  	[hbm4b:s6+s2] =	stream.indirect_vreg.scatter [tilespmem:s12], [sflag:$0x1], $0x80, v4, vm0, $0xb8;
	[tilespmem:$0x8080] =	vst v63  }
0x67: {  	_ = 	snop  }
0x68: {  	[hbm4b:s3+s2] =	stream.indirect_vreg.scatter [tilespmem:s13], [sflag:$0x1], $0x80, v3, vm0, $0xb8;
	[tilespmem:$0x8080] =	vst v63  }
0x69: {  	_ = 	snop  }
0x6a: {  	[hbm4b:s6+s2] =	stream.indirect_vreg.scatter [tilespmem:s14], [sflag:$0x1], $0x80, v3, vm0, $0xb8;
	[tilespmem:$0x8080] =	vst v63  }
0x6b: {  	v3 =	vld [tilespmem:$0x10];
	_ =	sdelay $0x4  }
0x6c: {  	v61 =	vshll.u32 v3, $0x2  }
0x6d: {  	v3 =	vand.u32 $0x7, v3;
	v4 =	vand.u32 $0xFFFFFFE0, v61  }
0x6e: {  	v3 =	vor.u32 v3, v4  }
0x6f: {  	v4 =	vperm.xlane v3, v0;
	_ =	sdelay $0x1  }
0x70: {  	v4 =	vadd.s32 v1, v4;
	_ =	sdelay $0x1  }
0x71: {  	v3 =	vperm.xlane v3, v2;
	_ =	sdelay $0x1  }
0x72: {  	v3 =	vadd.s32 v1, v3  }
0x73: {  	[hbm4b:s3+s2] =	stream.indirect_vreg.scatter [tilespmem:s15], [sflag:$0x1], $0x80, v4, vm0, $0xb8;
	[tilespmem:$0x8080] =	vst v63  }
0x74: {  	_ = 	snop  }
0x75: {  	[hbm4b:s6+s2] =	stream.indirect_vreg.scatter [tilespmem:s16], [sflag:$0x1], $0x80, v4, vm0, $0xb8;
	[tilespmem:$0x8080] =	vst v63  }
0x76: {  	_ = 	snop  }
0x77: {  	[hbm4b:s3+s2] =	stream.indirect_vreg.scatter [tilespmem:s17], [sflag:$0x1], $0x80, v3, vm0, $0xb8;
	[tilespmem:$0x8080] =	vst v63  }
0x78: {  	_ = 	snop  }
0x79: {  	[hbm4b:s6+s2] =	stream.indirect_vreg.scatter [tilespmem:s18], [sflag:$0x1], $0x80, v3, vm0, $0xb8;
	[tilespmem:$0x8080] =	vst v63  }
0x7a: {  	v3 =	vld [tilespmem:$0x20];
	_ =	sdelay $0x4  }
0x7b: {  	v62 =	vshll.u32 v3, $0x2  }
0x7c: {  	v3 =	vand.u32 $0x7, v3;
	v4 =	vand.u32 $0xFFFFFFE0, v62  }
0x7d: {  	v3 =	vor.u32 v3, v4  }
0x7e: {  	v4 =	vperm.xlane v3, v0;
	_ =	sdelay $0x1  }
0x7f: {  	v4 =	vadd.s32 v1, v4;
	_ =	sdelay $0x1  }
0x80: {  	v3 =	vperm.xlane v3, v2;
	_ =	sdelay $0x1  }
0x81: {  	v3 =	vadd.s32 v1, v3  }
0x82: {  	[hbm4b:s3+s2] =	stream.indirect_vreg.scatter [tilespmem:s19], [sflag:$0x1], $0x80, v4, vm0, $0xb8;
	[tilespmem:$0x8080] =	vst v63  }
0x83: {  	_ = 	snop  }
0x84: {  	[hbm4b:s6+s2] =	stream.indirect_vreg.scatter [tilespmem:s20], [sflag:$0x1], $0x80, v4, vm0, $0xb8;
	[tilespmem:$0x8080] =	vst v63  }
0x85: {  	_ = 	snop  }
0x86: {  	[hbm4b:s3+s2] =	stream.indirect_vreg.scatter [tilespmem:s21], [sflag:$0x1], $0x80, v3, vm0, $0xb8;
	[tilespmem:$0x8080] =	vst v63  }
0x87: {  	_ = 	snop  }
0x88: {  	[hbm4b:s6+s2] =	stream.indirect_vreg.scatter [tilespmem:s22], [sflag:$0x1], $0x80, v3, vm0, $0xb8;
	[tilespmem:$0x8080] =	vst v63  }
0x89: {  	v3 =	vld [tilespmem:$0x30];
	_ =	sdelay $0x4  }
0x8a: {  	v63 =	vshll.u32 v3, $0x2  }
0x8b: {  	v3 =	vand.u32 $0x7, v3;
	v4 =	vand.u32 $0xFFFFFFE0, v63  }
0x8c: {  	v3 =	vor.u32 v3, v4  }
0x8d: {  	v4 =	vperm.xlane v3, v0;
	_ =	sdelay $0x1  }
0x8e: {  	v4 =	vadd.s32 v1, v4;
	_ =	sdelay $0x1  }
0x8f: {  	v3 =	vperm.xlane v3, v2;
	_ =	sdelay $0x1  }
0x90: {  	v3 =	vadd.s32 v1, v3  }
0x91: {  	[hbm4b:s3+s2] =	stream.indirect_vreg.scatter [tilespmem:s23], [sflag:$0x1], $0x80, v4, vm0, $0xb8;
	[tilespmem:$0x8080] =	vst v63  }
0x92: {  	_ = 	snop  }
0x93: {  	[hbm4b:s6+s2] =	stream.indirect_vreg.scatter [tilespmem:s24], [sflag:$0x1], $0x80, v4, vm0, $0xb8;
	[tilespmem:$0x8080] =	vst v63  }
0x94: {  	_ = 	snop  }
0x95: {  	[hbm4b:s3+s2] =	stream.indirect_vreg.scatter [tilespmem:s25], [sflag:$0x1], $0x80, v3, vm0, $0xb8;
	[tilespmem:$0x8080] =	vst v63  }
0x96: {  	_ = 	snop  }
0x97: {  	[hbm4b:s6+s2] =	stream.indirect_vreg.scatter [tilespmem:s26], [sflag:$0x1], $0x80, v3, vm0, $0xb8;
	[tilespmem:$0x8080] =	vst v63  }
0x98: {  	_ =	swait.ge [sflag:s28], $0x8000  }
0x99: {  	p0 =	sne.s32 s9, $0x1;
	[sflag:s28] =	ssyncset.done $0x0  }
.Ltmp0:
0x9a: {  	[sflag:s28] =	ssyncadd.s32 $0xFFFF8000;
	(pc) =	sbr.rel @p0 .LBB2_1-.Ltmp0, $4  }
0x9b: {  	[hbm4b:s8+s2] =	stream.linear.scatter [tilespmem:s10], [sflag:$0x2], $0x8000, $0x38;
	[tilespmem:$0x8080] =	vst v63  }
0x9c: {  	_ =	swait.ge [sflag:s11], $0x8000  }
0x9d: {  	[sflag:s11] =	ssyncset.done $0x0  }
0x9e: {  	s9 =	sadd.s32 $0xFFFFFFFF, s9;
	[sflag:s11] =	ssyncadd.s32 $0xFFFF8000  }
0x9f: {  	_ =	sfence.sel $0x180000  }
0xa0: {  	[bflag:$0x0] =	sbarrier.arrive $0xFFFF  }
0xa1: {  	p0 =	sne.s32 s1, $0x0;
	_ =	strace $0x90000047  }
0xa2: {  	s0 =	sadd.s32 @!p0 $0x100000, s0;
	[bflag:$0x2] =	sbarrier.arrive $0xFFFF  }
0xa3: {  	[sflag:s0] =	ssyncadd.tile.s32 @!p0 $0x1;
	_ =	shalt  }
.Lfunc_end2:
_tile_overlayer_lowered:
.L_overlay_start_2:
0xa4: {  	(tag) =	ssettag $0x2  }
0xa5: {  	s0 =	rddreg [dreg:$0x0];
	s2 =	stileid.u32  }
0xa6: {  	s1 =	rddreg [dreg:$0x1];
	p0 =	sne.s32 s2, $0x0  }
0xa7: {  	s3 =	rddreg [dreg:$0x2];
	[bflag:$0x3] =	sbarrier.arrive $0xFFFF;
	s2 =	simm.s32 @!p0 $0x1C02  }
0xa8: {  	[timem:s3], [sflag:s2] =	dma.local @!p0 [hbm:s0], s1  }
0xa9: {  	s0 =	simm.s32 @!p0 $0x2  }
0xaa: {  	_ =	swait.ge @!p0 [sflag:s0], s1  }
0xab: {  	s1 =	ssub.s32 @!p0 $0x0, s1;
	[sflag:s0] =	ssyncset.done @!p0 $0x0  }
0xac: {  	[sflag:s0] =	ssyncadd.s32 @!p0 s1  }
0xad: {  	[bflag:$0x3] =	sbarrier.arrive $0xFFFF  }
0xae: {  	_ =	shalt  }

// kernel: sparse-core-data-format-call.1.cloned.1.call-start
scs
called_computation.1_lowered:
.L_overlay_start_0:
0x0: {  	s1 =	sld [smem:$0x3FD9]  }
0x1: {  	s2 =	sld [smem:$0x3FFE];
	_ =	sdelay $0x1  }
0x2: {  	s3 =	srdreg.scid  }
0x3: {  	s0 =	sand.u32 $0x1, s3  }
0x4: {  	s17 =	sshll.u32 s0, $0xA;
	s1 =	sadd.s32 s2, s1  }
0x5: {  	s1 =	sadd.s32 s1, s17  }
0x6: {  	[smem:$0x3FC0] =	sst s1  }
0x7: {  	_ = 	snop  }
0x8: {  	(tm) =	ssettm $0x1  }
0x9: {  	s18 =	sld [smem:$0x3FFB];
	_ =	sdelay $0x3  }
0xa: {  	_ =	strace s18  }
0xb: {  	s1 =	sld [smem:$0x3FFC];
	_ =	sdelay $0x3  }
0xc: {  	_ =	strace s1  }
0xd: {  	s1 =	sld [smem:$0x3FFD];
	_ =	sdelay $0x3  }
0xe: {  	_ =	strace s1  }
0xf: {  	_ =	strace $0x8FFFFFFF  }
0x10: {  	s19 =	sld [smem:$0x3FDB];
	_ =	sdelay $0x1  }
0x11: {  	s20 =	simm.s32 $_scs_section_size  }
0x12: {  	s4 =	simm.s32 $_size__tile_overlayer_lowered;
	s5 =	simm.s32 $_tile_overlayer_lowered  }
0x13: {  	s23 =	simm.s32 $0x1BFF;
	s22 =	sshll.u32 s5, $0x1;
	s1 =	sadd.s32 s20, s19  }
0x14: {  	s6 =	simm.s32 $0x0;
	s21 =	sshll.u32 s4, $0x1;
	s4 =	sadd.s32 s22, s1  }
0x15: {  	[timem:s6], [sflag:s23] =	dma.local [hbm:s4], s21  }
0x16: {  	_ =	swait.ge [sflag:s23], s21  }
0x17: {  	s2 =	ssub.s32 $0x0, s21;
	[sflag:s23] =	ssyncset.done $0x0  }
0x18: {  	[sflag:s23] =	ssyncadd.s32 s2;
	_ =	sdelay $0x1  }
0x19: {  	s24 =	simm.s32 $0x1B8B  }
0x1a: {  	_ =	swait.ge [sflag:s24], $0x1  }
0x1b: {  	[sflag:s24] =	ssyncset.done $0x0  }
0x1c: {  	s26 =	simm.s32 $0x1B8E;
	s25 =	sld [smem:$0x3FFE];
	[sflag:s24] =	ssyncadd.s32 $0xFFFFFFFF  }
0x1d: {  	s27 =	simm.s32 $execute0_lowered;
	[smem:$0x3FD2] =	sst s26  }
0x1e: {  	s4 =	sshll.u32 s27, $0x1;
	_ =	strace $0x80000049;
	[dreg:$0x1] =	wrdreg $0xFFFFFFFF  }
0x1f: {  	s28 =	simm.s32 $_size_execute0_lowered;
	s1 =	sadd.s32 s1, s4;
	[dreg:$0x0] =	wrdreg $0x0  }
0x20: {  	s4 =	sshll.u32 s28, $0x1;
	[dreg:$0x2] =	wrdreg s1  }
0x21: {  	[dreg:$0x3] =	wrdreg s4  }
0x22: {  	[dreg:$0x4] =	wrdreg $0xC0  }
0x23: {  	_ =	task [dreg:s6], $0x5FFFF  }
0x24: {  	[dreg:$0x1] =	wrdreg $0xFFFFFFFF  }
0x25: {  	[dreg:$0x0] =	wrdreg $0x60  }
0x26: {  	[dreg:$0x2] =	wrdreg s25  }
0x27: {  	[dreg:$0x3] =	wrdreg $0x9  }
0x28: {  	_ =	task.clear_ibuf [dreg:s6], $0x4FFFF;
	_ =	strace $0x90000049  }
0x29: {  	s29 =	simm.s32 $0x9;
	_ =	strace $0x8000004B  }
0x2a: {  	_ =	swait.ge [sflag:s29], $0x1  }
0x2b: {  	[sflag:s29] =	ssyncadd.s32 $0xFFFFFFFF  }
0x2c: {  	_ =	strace $0x9000004B  }
0x2d: {  	_ =	sfence  }
0x2e: {  	s30 =	sld [smem:$0x0];
	_ =	sdelay $0x2  }
0x2f: {  	s31 =	sshll.u32 s3, $0xD;
	s3 =	sshrl.u32 s3, $0x2  }
0x30: {  	s2 =	sand.u32 $0x4000, s31;
	s1 =	sadd.s32 s3, s30  }
0x31: {  	s0 =	sor.u32 s2, s0;
	s1 =	sshll.u32 s1, $0x11  }
0x32: {  	s0 =	sor.u32 s1, s0  }
0x33: {  	s0 =	sadd.s32 $0x8F2B, s0  }
0x34: {  	[sflag:s0] =	ssyncadd.remote.s32 $0x1  }
0x35: {  	_ =	sfence.sel $0xFFFF  }
0x36: {  	[dreg:$0x0] =	wrdreg $0xFFFFFFFF;
	(pc) =	sbr.abs _section_cstart, $3  }
0x37: {  	[dreg:$0x1] =	wrdreg $0xFFFFFFFF  }
0x38: {  	_ =	task.clear_ibuf [dreg:s6], $0x2FFFF;
	_ =	strace $0x9FFFFFFF  }
0x39: {  	(tm) =	ssettm $0x7FFFFFFF  }
tec
execute0_lowered:
.L_overlay_start_1:
0x0: {  	(tag) =	ssettag $0x1  }
0x1: {  	s0 =	stileid.u32;
	s1 =	srdreg.scid  }
0x2: {  	s7 =	rddreg [dreg:$0x0];
	s31 =	simm.s32 $0x2;
	s14 =	simm.s32 $0x0  }
0x3: {  	s13 =	simm.s32 $0x0;
	s12 =	simm.s32 $0x0;
	s2 =	sshll.u32 s0, $0x7  }
0x4: {  	s3 =	sshll.u32 s0, $0x4;
	s1 =	sshll.u32 s1, $0x8;
	s2 =	sand.u32 $0x380, s2  }
0x5: {  	s3 =	sor.u32 s3, s1;
	s1 =	rddreg [dreg:$0x1];
	_ =	strace $0x8000004A  }
0x6: {  	s3 =	sand.u32 $0x180, s3;
	s4 =	ssub.s32 $0x400, s2;
	s11 =	smov.u32 s2  }
0x7: {  	s5 =	sand.u32 $0x380, s4;
	s6 =	ssub.s32 $0x2000, s3;
	s9 =	sshrl.u32 s4, $0xA  }
0x8: {  	p0 =	sne.s32 s5, $0x0;
	s5 =	simm.s32 $0x1;
	s8 =	sand.u32 $0x180, s6  }
0x9: {  	s5 =	simm.s32 @!p0 $0x0;
	p0 =	sne.s32 s8, $0x0;
	s8 =	simm.s32 $0x1  }
.Ltmp0:
0xa: {  	s6 =	sshrl.u32 s6, $0x9;
	s8 =	simm.s32 @!p0 $0x0;
	(pc) =	sbr.rel .LBB1_1-.Ltmp0, $4  }
0xb: {  	s4 =	simm.s32 $0x1;
	s5 =	sadd.s32 s5, s9;
	s6 =	sadd.s32 s8, s6  }
0xc: {  	s10 =	smov.u32 s3;
	[sflag:s4] =	ssyncpa.u1 $0x0;
	s5 =	smul.u32 s5, s6  }
0xd: {  	[sflag:s31] =	ssyncpa.u1 $0x0;
	p0 =	por $0x0, $0x0;
	s9 =	simm.s32 $0x2000  }
0xe: {  	s6 =	sadd.s32 $0x27B200, s7;
	s7 =	sadd.s32 $0x17B200, s7;
	s8 =	sadd.s32 $0x1, s5  }
.LBB1_4:
0xf: {  	v5 =	vld [tilespmem:s18+$0xFFFFFFD0];
	[tilespmem:s17+$0x2040 ss:$0x81] =	vst.msk $0xffff, v1  }
0x10: {  	v58 =	vld [tilespmem:s18+$0xFFFFFFE0];
	[tilespmem:s17+$0x2850 ss:$0x81] =	vst.msk $0xffff, v2  }
0x11: {  	s19 =	sshra.s32 s19, $0x2;
	v59 =	vld [tilespmem:s18+$0xFFFFFFF0];
	[tilespmem:s17+$0x3060 ss:$0x81] =	vst.msk $0xffff, v3  }
0x12: {  	v60 =	vld [tilespmem:s18+$0x0];
	[tilespmem:s17+$0x0 ss:$0x81] =	vst.msk $0xffff, v0;
	s16 =	sadd.s32 s19, s16  }
0x13: {  	v61 =	vld [tilespmem:s18+$0x10];
	[tilespmem:s16+$0x3870 ss:$0x81] =	vst.msk $0xffff, v4  }
0x14: {  	v62 =	vld [tilespmem:s18+$0x20];
	s26 =	sshll.u32 s14, $0xA;
	s27 =	sshll.u32 s13, $0x3;
	[tilespmem:s16+$0x810 ss:$0x81] =	vst.msk $0xffff, v5  }
0x15: {  	v63 =	vld [tilespmem:s18+$0xFFFFFFC0];
	s29 =	sshll.u32 s14, $0x7;
	s17 =	sand.u32 $0x7FE000, s26;
	s28 =	sand.u32 $0x7FFC00, s27;
	[tilespmem:s16+$0x1020 ss:$0x81] =	vst.msk $0xffff, v58  }
0x16: {  	s30 =	sand.u32 $0x78, s13;
	s14 =	sand.u32 $0x380, s29;
	s17 =	sadd.s32 s28, s17;
	[tilespmem:s16+$0x1830 ss:$0x81] =	vst.msk $0xffff, v59  }
0x17: {  	s14 =	sor.u32 s30, s14;
	s17 =	sand.u32 $0x7FFC00, s17;
	[tilespmem:s16+$0x2040 ss:$0x81] =	vst.msk $0xffff, v60  }
0x18: {  	s31 =	sand.u32 $0x7, s13;
	s14 =	sor.u32 s17, s14;
	[tilespmem:s16+$0x2850 ss:$0x81] =	vst.msk $0xffff, v61  }
0x19: {  	s13 =	sshll.u32 s31, $0x12;
	[tilespmem:s16+$0x3060 ss:$0x81] =	vst.msk $0xffff, v62;
	s14 =	sshrl.u32 s14, $0x3  }
0x1a: {  	s13 =	sor.u32 $0x400, s13;
	[tilespmem:s16+$0x0 ss:$0x81] =	vst.msk $0xffff, v63;
	s14 =	sadd.s32 s7, s14  }
0x1b: {  	[hbm4b:s14+s13] =	stream.strided.scatter [tilespmem:s15], [sflag:$0x2], $0x4000, s9, s13, $0x20;
	[tilespmem:$0x10100] =	vst v63  }
.LBB1_5:
0x1c: {  	s15 =	sadd.s32 $0x200, s10  }
0x1d: {  	s13 =	sadd.s32 $0x400, s11;
	s17 =	smov.u32 s11;
	p2 =	sgt.s32 s15, $0x1FFF  }
0x1e: {  	s17 =	smov.u32 @p2 s13  }
0x1f: {  	s15 =	smov.u32 @p2 s3;
	p2 =	sgt.s32 s17, $0x3FF  }
0x20: {  	s17 =	smov.u32 @p2 s2;
	p2 =	sne.s32 s12, s8  }
.Ltmp1:
0x21: {  	p1 =	slt.u32 s12, $0x2;
	(pc) =	sbr.rel @!p2 .LBB1_6-.Ltmp1, $4  }
0x22: {  	s16 =	simm.s32 @!p1 $0x2  }
0x23: {  	s14 =	smov.u32 s10;
	p0 =	por !p0, !p0;
	_ =	swait.ge @!p1 [sflag:s16], $0x4000  }
0x24: {  	s13 =	smov.u32 s11;
	[sflag:s16] =	ssyncset.done @!p1 $0x0;
	s10 =	smov.u32 s15  }
0x25: {  	s12 =	sadd.s32 $0x1, s12;
	[sflag:s16] =	ssyncadd.s32 @!p1 $0xFFFFC000;
	s11 =	smov.u32 s17  }
.LBB1_1:
0x26: {  	p1 =	sge.u32 s12, s5;
	s31 =	sadd.s32 $0xFFFFFFFF, s12  }
0x27: {  	s15 =	sand.u32 @!p1 $0x78, s10;
	s16 =	sshll.u32 @!p1 s11, $0xD;
	s17 =	sshll.u32 @!p1 s11, $0x7  }
0x28: {  	s18 =	sshll.u32 @!p1 s10, $0x3;
	s16 =	sand.u32 @!p1 $0x7F0000, s16;
	s17 =	sand.u32 @!p1 $0x380, s17  }
0x29: {  	s16 =	sadd.s32 @!p1 s16, s18;
	s18 =	sand.u32 @!p1 $0x1C00, s18;
	s15 =	sor.u32 @!p1 s17, s15  }
0x2a: {  	s17 =	sxor.u32 @!p1 $0xFFFFFFFF, s12;
	s16 =	sand.u32 @!p1 $0x7FE000, s16;
	s15 =	sor.u32 @!p1 s18, s15  }
0x2b: {  	s17 =	sshll.u32 @!p1 s17, $0xE;
	s15 =	sor.u32 @!p1 s16, s15;
	s16 =	sand.u32 @!p1 $0x7, s10  }
0x2c: {  	s18 =	simm.s32 @!p1 $0x10000;
	s15 =	sshrl.u32 @!p1 s15, $0x3;
	s16 =	sshll.u32 @!p1 s16, $0x12  }
0x2d: {  	s17 =	sand.u32 @!p1 $0x4000, s17;
	s15 =	sadd.s32 @!p1 s6, s15;
	s16 =	sor.u32 @!p1 $0x400, s16  }
0x2e: {  	[tilespmem:s17], [sflag:$0x1] =	stream.strided.gather @!p1 [hbm4b:s15+s16], $0x4000, s18, s16, $0x38;
	[tilespmem:$0x10100] =	vst v63  }
0x2f: {  	p1 =	sge.u32 s31, s5  }
.Ltmp2:
0x30: {  	_ = 	snop;
	(pc) =	sbr.rel @p1 .LBB1_5-.Ltmp2, $1  }
0x31: {  	_ =	sdelay $0x3  }
0x32: {  	s15 =	simm.s32 $0x1  }
0x33: {  	_ =	swait.ge [sflag:s4], $0x4000;
	s15 =	simm.s32 @!p0 $0x0  }
0x34: {  	[sflag:s4] =	ssyncset.done $0x0;
	s16 =	sshll.u32 s15, $0xE  }
0x35: {  	[sflag:s4] =	ssyncadd.s32 $0xFFFFC000;
	s18 =	sor.u32 $0x40, s16  }
0x36: {  	s15 =	smul.u32 $0x10200, s15;
	v0 =	vld [tilespmem:s18+$0x30]  }
0x37: {  	v3 =	vld [tilespmem:s18+$0xFFFFFFD0]  }
0x38: {  	s15 =	sshrl.u32 s15, $0x2;
	v4 =	vld [tilespmem:s18+$0xFFFFFFE0]  }
0x39: {  	v5 =	vld [tilespmem:s18+$0xFFFFFFF0];
	s16 =	sor.u32 $0x8000, s15  }
0x3a: {  	s31 =	sand.u32 $0x1, s12;
	v1 =	vld [tilespmem:s18+$0x0];
	s17 =	sadd.s32 $0x0, s16  }
0x3b: {  	v2 =	vld [tilespmem:s18+$0x10];
	s15 =	smul.u32 $0x10200, s31;
	[tilespmem:s17+$0x3870 ss:$0x81] =	vst.msk $0xffff, v0  }
0x3c: {  	[tilespmem:s17+$0x810 ss:$0x81] =	vst.msk $0xffff, v3;
	v3 =	vld [tilespmem:s18+$0x20]  }
0x3d: {  	s15 =	sshrl.u32 s15, $0x2;
	v0 =	vld [tilespmem:s18+$0xFFFFFFC0];
	[tilespmem:s17+$0x1020 ss:$0x81] =	vst.msk $0xffff, v4;
	s18 =	sadd.s32 $0x80, s18  }
0x3e: {  	s19 =	simm.s32 $0x4;
	s20 =	simm.s32 $0x8;
	s15 =	sor.u32 $0x8000, s15;
	[tilespmem:s17+$0x1830 ss:$0x81] =	vst.msk $0xffff, v5;
	v4 =	vld [tilespmem:s18+$0x30]  }
.LBB1_3:
0x3f: {  	p1 =	sne.s32 s20, $0x1FC;
	v5 =	vld [tilespmem:s18+$0xFFFFFFD0];
	[tilespmem:s17+$0x2040 ss:$0x81] =	vst.msk $0xffff, v1  }
0x40: {  	v6 =	vld [tilespmem:s18+$0xFFFFFFE0];
	[tilespmem:s17+$0x2850 ss:$0x81] =	vst.msk $0xffff, v2  }
0x41: {  	s21 =	sshra.s32 s19, $0x2;
	s19 =	smov.u32 s20;
	v7 =	vld [tilespmem:s18+$0xFFFFFFF0];
	[tilespmem:s17+$0x3060 ss:$0x81] =	vst.msk $0xffff, v3  }
.Ltmp3:
0x42: {  	v1 =	vld [tilespmem:s18+$0x0];
	[tilespmem:s17+$0x0 ss:$0x81] =	vst.msk $0xffff, v0;
	s17 =	sadd.s32 s21, s16;
	(pc) =	sbr.rel @p1 .LBB1_3-.Ltmp3, $4  }
0x43: {  	v2 =	vld [tilespmem:s18+$0x10];
	[tilespmem:s17+$0x3870 ss:$0x81] =	vst.msk $0xffff, v4  }
0x44: {  	[tilespmem:s17+$0x810 ss:$0x81] =	vst.msk $0xffff, v5;
	v3 =	vld [tilespmem:s18+$0x20]  }
0x45: {  	v0 =	vld [tilespmem:s18+$0xFFFFFFC0];
	[tilespmem:s17+$0x1020 ss:$0x81] =	vst.msk $0xffff, v6;
	s18 =	sadd.s32 $0x80, s18  }
0x46: {  	s20 =	sadd.s32 $0x4, s20;
	v4 =	vld [tilespmem:s18+$0x30];
	[tilespmem:s17+$0x1830 ss:$0x81] =	vst.msk $0xffff, v7  }
.Ltmp4:
0x47: {  	_ = 	snop;
	(pc) =	sbr.rel .LBB1_4-.Ltmp4, $1  }
0x48: {  	_ =	sdelay $0x3  }
.LBB1_6:
0x49: {  	_ =	sfence.sel $0x180000  }
0x4a: {  	s2 =	simm.s32 $0x1;
	[bflag:$0x0] =	sbarrier.arrive $0xFFFF  }
0x4b: {  	s31 =	simm.s32 $0x2;
	[sflag:s2] =	ssyncpa.u1 $0x1  }
0x4c: {  	[sflag:s31] =	ssyncpa.u1 $0x1  }
0x4d: {  	p0 =	sne.s32 s0, $0x0;
	_ =	strace $0x9000004A  }
0x4e: {  	s0 =	sadd.s32 @!p0 $0x100000, s1;
	[bflag:$0x2] =	sbarrier.arrive $0xFFFF  }
0x4f: {  	[sflag:s0] =	ssyncadd.tile.s32 @!p0 $0x1;
	_ =	shalt  }
.Lfunc_end1:
_tile_overlayer_lowered:
.L_overlay_start_2:
0x50: {  	(tag) =	ssettag $0x2  }
0x51: {  	s0 =	rddreg [dreg:$0x0];
	s2 =	stileid.u32  }
0x52: {  	s1 =	rddreg [dreg:$0x1];
	p0 =	sne.s32 s2, $0x0  }
0x53: {  	s3 =	rddreg [dreg:$0x2];
	[bflag:$0x3] =	sbarrier.arrive $0xFFFF;
	s2 =	simm.s32 @!p0 $0x1C01  }
0x54: {  	[timem:s3], [sflag:s2] =	dma.local @!p0 [hbm:s0], s1  }
0x55: {  	s0 =	simm.s32 @!p0 $0x1  }
0x56: {  	_ =	swait.ge @!p0 [sflag:s0], s1  }
0x57: {  	s1 =	ssub.s32 @!p0 $0x0, s1;
	[sflag:s0] =	ssyncset.done @!p0 $0x0  }
0x58: {  	[sflag:s0] =	ssyncadd.s32 @!p0 s1  }
0x59: {  	[bflag:$0x3] =	sbarrier.arrive $0xFFFF  }
0x5a: {  	_ =	shalt  }

// kernel: sparse-core-data-format-call.cloned.1.call-start
scs
called_computation_lowered:
.L_overlay_start_0:
0x0: {  	s1 =	sld [smem:$0x3FD9]  }
0x1: {  	s2 =	sld [smem:$0x3FFE];
	_ =	sdelay $0x1  }
0x2: {  	s3 =	srdreg.scid  }
0x3: {  	s0 =	sand.u32 $0x1, s3  }
0x4: {  	s17 =	sshll.u32 s0, $0xA;
	s1 =	sadd.s32 s2, s1  }
0x5: {  	s1 =	sadd.s32 s1, s17  }
0x6: {  	[smem:$0x3FC0] =	sst s1  }
0x7: {  	_ = 	snop  }
0x8: {  	(tm) =	ssettm $0x1  }
0x9: {  	s18 =	sld [smem:$0x3FFB];
	_ =	sdelay $0x3  }
0xa: {  	_ =	strace s18  }
0xb: {  	s1 =	sld [smem:$0x3FFC];
	_ =	sdelay $0x3  }
0xc: {  	_ =	strace s1  }
0xd: {  	s1 =	sld [smem:$0x3FFD];
	_ =	sdelay $0x3  }
0xe: {  	_ =	strace s1  }
0xf: {  	_ =	strace $0x8FFFFFFF  }
0x10: {  	s19 =	sld [smem:$0x3FDB];
	_ =	sdelay $0x1  }
0x11: {  	s20 =	simm.s32 $_scs_section_size  }
0x12: {  	s4 =	simm.s32 $_size__tile_overlayer_lowered;
	s5 =	simm.s32 $_tile_overlayer_lowered  }
0x13: {  	s23 =	simm.s32 $0x1BFF;
	s22 =	sshll.u32 s5, $0x1;
	s1 =	sadd.s32 s20, s19  }
0x14: {  	s6 =	simm.s32 $0x0;
	s21 =	sshll.u32 s4, $0x1;
	s4 =	sadd.s32 s22, s1  }
0x15: {  	[timem:s6], [sflag:s23] =	dma.local [hbm:s4], s21  }
0x16: {  	_ =	swait.ge [sflag:s23], s21  }
0x17: {  	s2 =	ssub.s32 $0x0, s21;
	[sflag:s23] =	ssyncset.done $0x0  }
0x18: {  	[sflag:s23] =	ssyncadd.s32 s2;
	_ =	sdelay $0x1  }
0x19: {  	s24 =	simm.s32 $0x1B8B  }
0x1a: {  	_ =	swait.ge [sflag:s24], $0x1  }
0x1b: {  	[sflag:s24] =	ssyncset.done $0x0  }
0x1c: {  	s26 =	simm.s32 $0x1B8E;
	s25 =	sld [smem:$0x3FFE];
	[sflag:s24] =	ssyncadd.s32 $0xFFFFFFFF  }
0x1d: {  	s27 =	simm.s32 $execute0_lowered;
	[smem:$0x3FD2] =	sst s26  }
0x1e: {  	s4 =	sshll.u32 s27, $0x1;
	_ =	strace $0x8000004C;
	[dreg:$0x1] =	wrdreg $0xFFFFFFFF  }
0x1f: {  	s28 =	simm.s32 $_size_execute0_lowered;
	s1 =	sadd.s32 s1, s4;
	[dreg:$0x0] =	wrdreg $0x0  }
0x20: {  	s4 =	sshll.u32 s28, $0x1;
	[dreg:$0x2] =	wrdreg s1  }
0x21: {  	[dreg:$0x3] =	wrdreg s4  }
0x22: {  	[dreg:$0x4] =	wrdreg $0xC0  }
0x23: {  	_ =	task [dreg:s6], $0x5FFFF  }
0x24: {  	[dreg:$0x1] =	wrdreg $0xFFFFFFFF  }
0x25: {  	[dreg:$0x0] =	wrdreg $0x60  }
0x26: {  	[dreg:$0x2] =	wrdreg s25  }
0x27: {  	[dreg:$0x3] =	wrdreg $0x9  }
0x28: {  	_ =	task.clear_ibuf [dreg:s6], $0x4FFFF;
	_ =	strace $0x9000004C  }
0x29: {  	s29 =	simm.s32 $0x9;
	_ =	strace $0x8000004E  }
0x2a: {  	_ =	swait.ge [sflag:s29], $0x1  }
0x2b: {  	[sflag:s29] =	ssyncadd.s32 $0xFFFFFFFF  }
0x2c: {  	_ =	strace $0x9000004E  }
0x2d: {  	_ =	sfence  }
0x2e: {  	s30 =	sld [smem:$0x0];
	_ =	sdelay $0x2  }
0x2f: {  	s31 =	sshll.u32 s3, $0xD;
	s3 =	sshrl.u32 s3, $0x2  }
0x30: {  	s2 =	sand.u32 $0x4000, s31;
	s1 =	sadd.s32 s3, s30  }
0x31: {  	s0 =	sor.u32 s2, s0;
	s1 =	sshll.u32 s1, $0x11  }
0x32: {  	s0 =	sor.u32 s1, s0  }
0x33: {  	s0 =	sadd.s32 $0x8F2B, s0  }
0x34: {  	[sflag:s0] =	ssyncadd.remote.s32 $0x1  }
0x35: {  	_ =	sfence.sel $0xFFFF  }
0x36: {  	[dreg:$0x0] =	wrdreg $0xFFFFFFFF;
	(pc) =	sbr.abs _section_cstart, $3  }
0x37: {  	[dreg:$0x1] =	wrdreg $0xFFFFFFFF  }
0x38: {  	_ =	task.clear_ibuf [dreg:s6], $0x2FFFF;
	_ =	strace $0x9FFFFFFF  }
0x39: {  	(tm) =	ssettm $0x7FFFFFFF  }
tec
execute0_lowered:
.L_overlay_start_1:
0x0: {  	(tag) =	ssettag $0x1  }
0x1: {  	s0 =	srdreg.scid;
	s7 =	rddreg [dreg:$0x0];
	s31 =	simm.s32 $0x2  }
0x2: {  	s14 =	simm.s32 $0x0;
	s13 =	simm.s32 $0x0;
	s1 =	sshll.u32 s0, $0x4  }
0x3: {  	s12 =	simm.s32 $0x0;
	s0 =	stileid.u32;
	s1 =	sand.u32 $0x10, s1  }
0x4: {  	s4 =	sadd.s32 $0x1AC000, s7;
	s2 =	sshll.u32 s0, $0x7;
	s8 =	sor.u32 s0, s1  }
0x5: {  	s1 =	rddreg [dreg:$0x1];
	s2 =	sand.u32 $0x180, s2;
	s3 =	sshll.u32 s8, $0x5  }
0x6: {  	_ =	strace $0x8000004D;
	s5 =	ssub.s32 $0x2800, s2;
	s3 =	sand.u32 $0x380, s3  }
0x7: {  	s6 =	sand.u32 $0x180, s5;
	s11 =	sshrl.u32 s5, $0x9;
	s9 =	ssub.s32 $0x400, s3  }
0x8: {  	p0 =	sne.s32 s6, $0x0;
	s6 =	simm.s32 $0x1;
	s10 =	sand.u32 $0x380, s9  }
0x9: {  	s6 =	simm.s32 @!p0 $0x0;
	p0 =	sne.s32 s10, $0x0;
	s10 =	simm.s32 $0x1  }
.Ltmp0:
0xa: {  	s9 =	sshrl.u32 s9, $0xA;
	s10 =	simm.s32 @!p0 $0x0;
	(pc) =	sbr.rel .LBB1_1-.Ltmp0, $4  }
0xb: {  	s5 =	simm.s32 $0x1;
	s6 =	sadd.s32 s6, s11;
	s9 =	sadd.s32 s10, s9  }
0xc: {  	s7 =	sadd.s32 $0x2EC000, s7;
	[sflag:s5] =	ssyncpa.u1 $0x0;
	s6 =	smul.u32 s6, s9  }
0xd: {  	s8 =	sshll.u32 s8, $0x8;
	[sflag:s31] =	ssyncpa.u1 $0x0;
	s11 =	smov.u32 s2  }
0xe: {  	p0 =	por $0x0, $0x0;
	s10 =	simm.s32 $0x14000;
	s9 =	sadd.s32 $0x1, s6  }
.LBB1_4:
0xf: {  	s14 =	sshrl.u32 s14, $0x3  }
0x10: {  	s20 =	sshll.u32 s13, $0x3;
	s14 =	smul.u32 $0x14000, s14  }
0x11: {  	v5 =	vld [tilespmem:s18+$0xFFFFFFD0];
	[tilespmem:s17+$0x2040 ss:$0x81] =	vst.msk $0xffff, v4;
	s20 =	sand.u32 $0xFFFFFC00, s20  }
0x12: {  	v58 =	vld [tilespmem:s18+$0xFFFFFFE0];
	[tilespmem:s17+$0x2850 ss:$0x81] =	vst.msk $0xffff, v3;
	s30 =	sand.u32 $0x7F, s13;
	s14 =	sadd.s32 s20, s14  }
0x13: {  	s19 =	sshra.s32 s19, $0x2;
	v59 =	vld [tilespmem:s18+$0xFFFFFFF0];
	[tilespmem:s17+$0x3060 ss:$0x81] =	vst.msk $0xffff, v2;
	s13 =	sor.u32 s30, s14  }
0x14: {  	v60 =	vld [tilespmem:s18+$0x0];
	[tilespmem:s17+$0x0 ss:$0x81] =	vst.msk $0xffff, v0;
	s16 =	sadd.s32 s19, s16;
	s31 =	smulhi.u32 $0xCCCCCCCD, s13  }
0x15: {  	v61 =	vld [tilespmem:s18+$0x10];
	[tilespmem:s16+$0x3870 ss:$0x81] =	vst.msk $0xffff, v1  }
0x16: {  	v62 =	vld [tilespmem:s18+$0x20];
	s14 =	smulhi.u32 $0xCCCCCCCD, s14;
	[tilespmem:s16+$0x810 ss:$0x81] =	vst.msk $0xffff, v5;
	s17 =	sshrl.u32 s31, $0xD  }
0x17: {  	v63 =	vld [tilespmem:s18+$0xFFFFFFC0];
	[tilespmem:s16+$0x1020 ss:$0x81] =	vst.msk $0xffff, v58;
	s17 =	smul.u32 $0x2800, s17  }
0x18: {  	[tilespmem:s16+$0x1830 ss:$0x81] =	vst.msk $0xffff, v59;
	s14 =	sshrl.u32 s14, $0xD  }
0x19: {  	[tilespmem:s16+$0x2040 ss:$0x81] =	vst.msk $0xffff, v60;
	s14 =	sand.u32 $0x3FF, s14;
	s13 =	ssub.s32 s13, s17  }
0x1a: {  	[tilespmem:s16+$0x2850 ss:$0x81] =	vst.msk $0xffff, v61;
	s14 =	smul.u32 $0x500, s14;
	s17 =	sshrl.u32 s13, $0x3;
	s13 =	sand.u32 $0x7, s13  }
0x1b: {  	[tilespmem:s16+$0x3060 ss:$0x81] =	vst.msk $0xffff, v62;
	s17 =	sadd.s32 s7, s17;
	s13 =	sshll.u32 s13, $0x12  }
0x1c: {  	[tilespmem:s16+$0x0 ss:$0x81] =	vst.msk $0xffff, v63;
	s14 =	sadd.s32 s14, s17;
	s13 =	sor.u32 $0x400, s13  }
0x1d: {  	[hbm4b:s14+s13] =	stream.strided.scatter [tilespmem:s15], [sflag:$0x2], $0x4000, s10, s13, $0x20;
	[tilespmem:$0x10100] =	vst v63  }
.LBB1_5:
0x1e: {  	s15 =	sadd.s32 $0x200, s11  }
0x1f: {  	p2 =	sgt.s32 s15, $0x27FF  }
0x20: {  	s15 =	smov.u32 @p2 s2;
	p2 =	sne.s32 s12, s9  }
.Ltmp1:
0x21: {  	p1 =	slt.u32 s12, $0x2;
	(pc) =	sbr.rel @!p2 .LBB1_6-.Ltmp1, $4  }
0x22: {  	s14 =	simm.s32 @!p1 $0x2  }
0x23: {  	s16 =	sadd.s32 $0x1, s12;
	s13 =	smov.u32 s11;
	_ =	swait.ge @!p1 [sflag:s14], $0x4000  }
0x24: {  	p0 =	por !p0, !p0;
	s12 =	smov.u32 s16;
	[sflag:s14] =	ssyncset.done @!p1 $0x0  }
0x25: {  	s11 =	smov.u32 s15;
	[sflag:s14] =	ssyncadd.s32 @!p1 $0xFFFFC000;
	s14 =	smov.u32 s3  }
.LBB1_1:
0x26: {  	p1 =	sge.u32 s12, s6  }
0x27: {  	s15 =	sshll.u32 @!p1 s11, $0xA  }
0x28: {  	s15 =	sand.u32 @!p1 $0xFFFFE000, s15  }
0x29: {  	s15 =	sor.u32 @!p1 s8, s15  }
0x2a: {  	s15 =	sshrl.u32 @!p1 s15, $0xA  }
0x2b: {  	s16 =	smulhi.u32 @!p1 $0xCCCCD, s15;
	_ =	sdelay $0x1  }
0x2c: {  	s16 =	sshrl.u32 @!p1 s16, $0x1  }
0x2d: {  	s16 =	smul.u32 @!p1 $0x2800, s16  }
0x2e: {  	s31 =	sadd.s32 $0xFFFFFFFF, s12;
	s17 =	sxor.u32 @!p1 $0xFFFFFFFF, s12;
	s18 =	sshll.u32 @!p1 s11, $0x4  }
0x2f: {  	s17 =	sshll.u32 @!p1 s17, $0xE;
	s15 =	ssub.s32 @!p1 s15, s16;
	s16 =	sand.u32 @!p1 $0x70, s18  }
0x30: {  	s17 =	sand.u32 @!p1 $0x4000, s17;
	s15 =	sshll.u32 @!p1 s15, $0x7;
	s16 =	sadd.s32 @!p1 s4, s16  }
0x31: {  	s18 =	simm.s32 @!p1 $0x2000;
	s15 =	sadd.s32 @!p1 s15, s16;
	s16 =	simm.s32 @!p1 $0x400  }
0x32: {  	[tilespmem:s17], [sflag:$0x1] =	stream.strided.gather @!p1 [hbm4b:s15+s16], $0x4000, s18, s16, $0x38;
	[tilespmem:$0x10100] =	vst v63  }
0x33: {  	p1 =	sge.u32 s31, s6  }
.Ltmp2:
0x34: {  	_ = 	snop;
	(pc) =	sbr.rel @p1 .LBB1_5-.Ltmp2, $1  }
0x35: {  	_ =	sdelay $0x3  }
0x36: {  	s15 =	simm.s32 $0x1  }
0x37: {  	_ =	swait.ge [sflag:s5], $0x4000;
	s15 =	simm.s32 @!p0 $0x0  }
0x38: {  	[sflag:s5] =	ssyncset.done $0x0;
	s16 =	sshll.u32 s15, $0xE  }
0x39: {  	[sflag:s5] =	ssyncadd.s32 $0xFFFFC000;
	s18 =	sor.u32 $0x40, s16  }
0x3a: {  	s15 =	smul.u32 $0x10200, s15;
	v0 =	vld [tilespmem:s18+$0x30]  }
0x3b: {  	v1 =	vld [tilespmem:s18+$0xFFFFFFD0]  }
0x3c: {  	s15 =	sshrl.u32 s15, $0x2;
	v5 =	vld [tilespmem:s18+$0xFFFFFFE0]  }
0x3d: {  	v6 =	vld [tilespmem:s18+$0xFFFFFFF0];
	s16 =	sor.u32 $0x8000, s15  }
0x3e: {  	s31 =	sand.u32 $0x1, s12;
	v4 =	vld [tilespmem:s18+$0x0];
	s17 =	sadd.s32 $0x0, s16  }
0x3f: {  	v3 =	vld [tilespmem:s18+$0x10];
	s15 =	smul.u32 $0x10200, s31;
	[tilespmem:s17+$0x3870 ss:$0x81] =	vst.msk $0xffff, v0  }
0x40: {  	v2 =	vld [tilespmem:s18+$0x20];
	[tilespmem:s17+$0x810 ss:$0x81] =	vst.msk $0xffff, v1  }
0x41: {  	s15 =	sshrl.u32 s15, $0x2;
	v0 =	vld [tilespmem:s18+$0xFFFFFFC0];
	[tilespmem:s17+$0x1020 ss:$0x81] =	vst.msk $0xffff, v5;
	s18 =	sadd.s32 $0x80, s18  }
0x42: {  	s19 =	simm.s32 $0x4;
	s20 =	simm.s32 $0x8;
	s15 =	sor.u32 $0x8000, s15;
	[tilespmem:s17+$0x1830 ss:$0x81] =	vst.msk $0xffff, v6;
	v1 =	vld [tilespmem:s18+$0x30]  }
.LBB1_3:
0x43: {  	p1 =	sne.s32 s20, $0x1FC;
	v5 =	vld [tilespmem:s18+$0xFFFFFFD0];
	[tilespmem:s17+$0x2040 ss:$0x81] =	vst.msk $0xffff, v4  }
0x44: {  	v6 =	vld [tilespmem:s18+$0xFFFFFFE0];
	[tilespmem:s17+$0x2850 ss:$0x81] =	vst.msk $0xffff, v3  }
0x45: {  	s21 =	sshra.s32 s19, $0x2;
	s19 =	smov.u32 s20;
	v7 =	vld [tilespmem:s18+$0xFFFFFFF0];
	[tilespmem:s17+$0x3060 ss:$0x81] =	vst.msk $0xffff, v2  }
.Ltmp3:
0x46: {  	v4 =	vld [tilespmem:s18+$0x0];
	[tilespmem:s17+$0x0 ss:$0x81] =	vst.msk $0xffff, v0;
	s17 =	sadd.s32 s21, s16;
	(pc) =	sbr.rel @p1 .LBB1_3-.Ltmp3, $4  }
0x47: {  	v3 =	vld [tilespmem:s18+$0x10];
	[tilespmem:s17+$0x3870 ss:$0x81] =	vst.msk $0xffff, v1  }
0x48: {  	[tilespmem:s17+$0x810 ss:$0x81] =	vst.msk $0xffff, v5;
	v2 =	vld [tilespmem:s18+$0x20]  }
0x49: {  	v0 =	vld [tilespmem:s18+$0xFFFFFFC0];
	[tilespmem:s17+$0x1020 ss:$0x81] =	vst.msk $0xffff, v6;
	s18 =	sadd.s32 $0x80, s18  }
0x4a: {  	s20 =	sadd.s32 $0x4, s20;
	v1 =	vld [tilespmem:s18+$0x30];
	[tilespmem:s17+$0x1830 ss:$0x81] =	vst.msk $0xffff, v7  }
.Ltmp4:
0x4b: {  	_ = 	snop;
	(pc) =	sbr.rel .LBB1_4-.Ltmp4, $1  }
0x4c: {  	_ =	sdelay $0x3  }
.LBB1_6:
0x4d: {  	_ =	sfence.sel $0x180000  }
0x4e: {  	s2 =	simm.s32 $0x1;
	[bflag:$0x0] =	sbarrier.arrive $0xFFFF  }
0x4f: {  	s31 =	simm.s32 $0x2;
	[sflag:s2] =	ssyncpa.u1 $0x1  }
0x50: {  	[sflag:s31] =	ssyncpa.u1 $0x1  }
0x51: {  	p0 =	sne.s32 s0, $0x0;
	_ =	strace $0x9000004D  }
0x52: {  	s0 =	sadd.s32 @!p0 $0x100000, s1;
	[bflag:$0x2] =	sbarrier.arrive $0xFFFF  }
0x53: {  	[sflag:s0] =	ssyncadd.tile.s32 @!p0 $0x1;
	_ =	shalt  }
.Lfunc_end1:
_tile_overlayer_lowered:
.L_overlay_start_2:
0x54: {  	(tag) =	ssettag $0x2  }
0x55: {  	s0 =	rddreg [dreg:$0x0];
	s2 =	stileid.u32  }
0x56: {  	s1 =	rddreg [dreg:$0x1];
	p0 =	sne.s32 s2, $0x0  }
0x57: {  	s3 =	rddreg [dreg:$0x2];
	[bflag:$0x3] =	sbarrier.arrive $0xFFFF;
	s2 =	simm.s32 @!p0 $0x1C01  }
0x58: {  	[timem:s3], [sflag:s2] =	dma.local @!p0 [hbm:s0], s1  }
0x59: {  	s0 =	simm.s32 @!p0 $0x1  }
0x5a: {  	_ =	swait.ge @!p0 [sflag:s0], s1  }
0x5b: {  	s1 =	ssub.s32 @!p0 $0x0, s1;
	[sflag:s0] =	ssyncset.done @!p0 $0x0  }
0x5c: {  	[sflag:s0] =	ssyncadd.s32 @!p0 s1  }
0x5d: {  	[bflag:$0x3] =	sbarrier.arrive $0xFFFF  }
0x5e: {  	_ =	shalt  }

</sc_bundles>
